<compile_context>
chip_gen: v7x
topology: tpu7x:2x2x1
jax: 0.10.2.dev20260603
libtpu: 0.0.44.dev20260713+nightly
codegen_flags: <defaults>
</compile_context>

<pallas_src>
import functools

import jax
import jax.numpy as jnp
from jax import lax
from jax.experimental import pallas as pl
from jax.experimental.pallas import tpu as pltpu
from jax.experimental.pallas import tpu_sc as plsc

B = 4096
S = 200
D = 64
N = B * S
NC, NS = 2, 16
NW = NC * NS
ROWS_PER_W = N // NW
GROUP = 100
GROUPS_PER_CHUNK = 4
CHUNK = GROUP * GROUPS_PER_CHUNK
SEQ_PER_CHUNK = CHUNK // S
NCHUNKS = ROWS_PER_W // CHUNK
NBUF = 4
NITER = NCHUNKS // NBUF
NCHUNKS_TOTAL = N // CHUNK


def _emb_body(ids_hbm, table_hbm, pos_hbm, time_hbm, out_hbm, time_out,
              pos_v,
              ib0, ib1, ib2, ib3,
              rb0, rb1, rb2, rb3,
              gsem0, gsem1, gsem2, gsem3,
              ssem0, ssem1, ssem2, ssem3):
    ibs = [ib0, ib1, ib2, ib3]
    rbs = [rb0, rb1, rb2, rb3]
    gsems = [gsem0, gsem1, gsem2, gsem3]
    ssems = [ssem0, ssem1, ssem2, ssem3]

    wid = lax.axis_index("s") * NC + lax.axis_index("c")
    row0 = wid * ROWS_PER_W
    chunk0 = wid * NCHUNKS

    @pl.when(wid == 0)
    def _():
        pltpu.sync_copy(time_hbm, time_out)

    pltpu.sync_copy(pos_hbm.at[pl.ds(0, S)], pos_v)

    def fire(c, ib, rb, gsem):
        pltpu.sync_copy(ids_hbm.at[chunk0 + c], ib)
        for j in range(GROUPS_PER_CHUNK):
            pltpu.async_copy(table_hbm.at[ib.at[j]],
                             rb.at[pl.ds(j * GROUP, GROUP)], gsem)

    def drain_gathers(rb, gsem):
        pltpu.make_async_copy(out_hbm.at[pl.ds(0, CHUNK)], rb, gsem).wait()

    def wait_store(rb, ssem):
        pltpu.make_async_copy(rb, out_hbm.at[pl.ds(0, CHUNK)], ssem).wait()

    def add_pos(rb):
        def body(s, carry):
            p = [pos_v[s, pl.ds(16 * q, 16)] for q in range(4)]
            for t in range(SEQ_PER_CHUNK):
                r = t * S + s
                for q in range(4):
                    rb[r, pl.ds(16 * q, 16)] = rb[r, pl.ds(16 * q, 16)] + p[q]
            return carry
        lax.fori_loop(0, S, body, 0)

    for b in range(NBUF):
        fire(b, ibs[b], rbs[b], gsems[b])

    def outer(i, carry):
        for b in range(NBUF):
            c = i * NBUF + b
            drain_gathers(rbs[b], gsems[b])
            add_pos(rbs[b])
            pltpu.async_copy(rbs[b], out_hbm.at[pl.ds(row0 + c * CHUNK, CHUNK)],
                             ssems[b])
            pb = (b - 1) % NBUF
            cc = c + NBUF - 1
            @pl.when((c >= 1) & (cc < NCHUNKS))
            def _():
                wait_store(rbs[pb], ssems[pb])
                fire(cc, ibs[pb], rbs[pb], gsems[pb])
        return carry

    lax.fori_loop(0, NITER, outer, 0)

    for b in range(NBUF):
        wait_store(rbs[b], ssems[b])


@functools.partial(jax.jit, static_argnums=())
def _emb_lookup(ids2d, W_word, W_pos, W_time):
    mesh = plsc.VectorSubcoreMesh(core_axis_name="c", subcore_axis_name="s")
    kern = functools.partial(
        pl.kernel,
        mesh=mesh,
        compiler_params=pltpu.CompilerParams(use_tc_tiling_on_sc=False),
        out_type=[
            jax.ShapeDtypeStruct((N, D), jnp.float32),
            jax.ShapeDtypeStruct(W_time.shape, jnp.float32),
        ],
        scratch_types=(
            [pltpu.VMEM((S, D), jnp.float32)]
            + [pltpu.VMEM((GROUPS_PER_CHUNK, GROUP), jnp.int32) for _ in range(NBUF)]
            + [pltpu.VMEM((CHUNK, D), jnp.float32) for _ in range(NBUF)]
            + [pltpu.SemaphoreType.DMA for _ in range(2 * NBUF)]
        ),
    )(_emb_body)
    return kern(ids2d, W_word, W_pos, W_time)


def kernel(input_ids, W_word, W_pos, W_time):
    ids3d = input_ids.reshape(NCHUNKS_TOTAL, GROUPS_PER_CHUNK, GROUP)
    out_flat, time_emb = _emb_lookup(ids3d, W_word, W_pos, W_time)
    return out_flat.reshape(B, S, D), time_emb[None]

# --- scband reference (transcript-rebuilt; emitter-appended) ---
"""Pipeline reference for scband-albert-embedding-45664092291152 (READ-ONLY COPY).

The authoritative reference and input builder live on the scoring server;
editing this copy changes nothing except your own understanding.
"""

import jax, jax.numpy as jnp
import numpy as np

VOCAB = 1000000
D = 64
MAXPOS = 512
NUM_LAYERS = 12
B = 4096
S = 200


def setup_inputs(seed: int = 0) -> dict:
    key = jax.random.key(seed)
    k1, k2, k3, k4 = jax.random.split(key, 4)
    input_ids = jax.random.randint(k1, (B, S), 0, VOCAB, dtype=jnp.int32)
    W_word = jax.random.normal(k2, (VOCAB, D), dtype=jnp.float32) * 0.02
    # padding_idx=0: torch initializes that row to zeros
    W_word = W_word.at[0].set(0.0)
    W_pos = jax.random.normal(k3, (MAXPOS, D), dtype=jnp.float32) * 0.02
    W_time = jax.random.normal(k4, (NUM_LAYERS, D), dtype=jnp.float32) * 0.02
    return {"input_ids": input_ids, "W_word": W_word, "W_pos": W_pos, "W_time": W_time}


def reference(input_ids, W_word, W_pos, W_time):
    batch_size, seq_len = input_ids.shape
    # word embedding lookup (padding_idx only affects init/grad, fwd is plain gather)
    word_embedding = jnp.take(W_word, input_ids, axis=0)            # (B, S, D)
    # position embedding: arange(seq_len) broadcast over batch
    input_pos = jnp.arange(seq_len)
    position_embedding = jnp.take(W_pos, input_pos, axis=0)[None, :, :]  # (1, S, D)
    # time embedding: arange(num_encoder_layers)
    encoder_ts = jnp.arange(NUM_LAYERS)
    time_embedding = jnp.take(W_time, encoder_ts, axis=0)[None, :, :]    # (1, L, D)
    output_emds = word_embedding + position_embedding                    # (B, S, D)
    return (output_emds, time_embedding)

if __name__ == "__main__":
    import jax
    _d = setup_inputs()
    print(jax.jit(kernel)(*tuple(_d.values())))

</pallas_src>

<mosaic_0001>
#map = affine_map<(d0, d1) -> (0, 0, 0)>
#map1 = affine_map<(d0, d1) -> (0, 0)>
module attributes {stable_mosaic.version = 14 : i64} {
  func.func @_emb_body(%arg0: i32, %arg1: i32, %arg2: memref<2048x4x100xi32, #tpu.memory_space<hbm>>, %arg3: memref<1000000x64xf32, #tpu.memory_space<hbm>>, %arg4: memref<512x64xf32, #tpu.memory_space<hbm>>, %arg5: memref<12x64xf32, #tpu.memory_space<hbm>>, %arg6: memref<819200x64xf32, #tpu.memory_space<hbm>>, %arg7: memref<12x64xf32, #tpu.memory_space<hbm>>, %arg8: memref<200x64xf32, #tpu.memory_space<vmem>>, %arg9: memref<4x100xi32, #tpu.memory_space<vmem>>, %arg10: memref<4x100xi32, #tpu.memory_space<vmem>>, %arg11: memref<4x100xi32, #tpu.memory_space<vmem>>, %arg12: memref<4x100xi32, #tpu.memory_space<vmem>>, %arg13: memref<400x64xf32, #tpu.memory_space<vmem>>, %arg14: memref<400x64xf32, #tpu.memory_space<vmem>>, %arg15: memref<400x64xf32, #tpu.memory_space<vmem>>, %arg16: memref<400x64xf32, #tpu.memory_space<vmem>>, %arg17: memref<!tpu.dma_semaphore, #tpu.memory_space<semaphore_mem>>, %arg18: memref<!tpu.dma_semaphore, #tpu.memory_space<semaphore_mem>>, %arg19: memref<!tpu.dma_semaphore, #tpu.memory_space<semaphore_mem>>, %arg20: memref<!tpu.dma_semaphore, #tpu.memory_space<semaphore_mem>>, %arg21: memref<!tpu.dma_semaphore, #tpu.memory_space<semaphore_mem>>, %arg22: memref<!tpu.dma_semaphore, #tpu.memory_space<semaphore_mem>>, %arg23: memref<!tpu.dma_semaphore, #tpu.memory_space<semaphore_mem>>, %arg24: memref<!tpu.dma_semaphore, #tpu.memory_space<semaphore_mem>>) attributes {dimension_semantics = [#tpu.dimension_semantics<core_parallel>, #tpu.dimension_semantics<subcore_parallel>], iteration_bounds = array<i64: 2, 16>, scalar_prefetch = 0 : i64, scratch_operands = 17 : i64, tpu.core_type = #tpu.core_type<sc_vector_subcore>, window_params = [{transform_indices = #map}, {transform_indices = #map1}, {transform_indices = #map1}, {transform_indices = #map1}, {transform_indices = #map1}, {transform_indices = #map1}]} {
    %mul3A = arith.constant 2 : i32
    %mul3A_0 = arith.muli %arg1, %mul3A : i32
    %add3A = arith.addi %mul3A_0, %arg0 : i32
    %mul3A_1 = arith.constant 25600 : i32
    %mul3A_2 = arith.muli %add3A, %mul3A_1 : i32
    %mul3A_3 = arith.constant 64 : i32
    %mul3A_4 = arith.muli %add3A, %mul3A_3 : i32
    %eq3A = arith.constant 0 : i32
    %eq3A_5 = arith.cmpi eq, %add3A, %eq3A : i32
    %convert_element_type3A = arith.extui %eq3A_5 : i1 to i32
    %cond3A = arith.constant 0 : i32
    %cond3A_6 = arith.cmpi ne, %convert_element_type3A, %cond3A : i32
    scf.if %cond3A_6 {
      "tpu.region"() ({
        %run_scoped3A = tpu.sem_alloc : memref<!tpu.dma_semaphore, #tpu.memory_space<semaphore_mem>>
        tpu.enqueue_dma source(%arg5 : memref<12x64xf32, #tpu.memory_space<hbm>>) target(%arg7 : memref<12x64xf32, #tpu.memory_space<hbm>>) target_semaphore(%run_scoped3A : memref<!tpu.dma_semaphore, #tpu.memory_space<semaphore_mem>>)
        tpu.wait_dma2 semaphore(%run_scoped3A : memref<!tpu.dma_semaphore, #tpu.memory_space<semaphore_mem>>) src(%arg5 : memref<12x64xf32, #tpu.memory_space<hbm>>) dst(%arg7 : memref<12x64xf32, #tpu.memory_space<hbm>>)
        tpu.yield
      }) : () -> ()
    } else {
    }
    "tpu.region"() ({
      %run_scoped3A = tpu.sem_alloc : memref<!tpu.dma_semaphore, #tpu.memory_space<semaphore_mem>>
      %dma_start3A_202 = arith.constant 0 : i32
      %dma_start3A_203 = arith.constant 0 : i32
      %dma_start3A_204 = tpu.memref_slice %arg4[%dma_start3A_202, %dma_start3A_203] : memref<512x64xf32, #tpu.memory_space<hbm>> -> memref<200x64xf32, #tpu.memory_space<hbm>>
      %dma_start3A_205 = arith.constant 0 : i32
      %dma_start3A_206 = arith.constant 0 : i32
      %dma_start3A_207 = tpu.memref_slice %arg4[%dma_start3A_205, %dma_start3A_206] : memref<512x64xf32, #tpu.memory_space<hbm>> -> memref<200x64xf32, #tpu.memory_space<hbm>>
      tpu.enqueue_dma source(%dma_start3A_207 : memref<200x64xf32, #tpu.memory_space<hbm>>) target(%arg8 : memref<200x64xf32, #tpu.memory_space<vmem>>) target_semaphore(%run_scoped3A : memref<!tpu.dma_semaphore, #tpu.memory_space<semaphore_mem>>)
      %dma_wait3A_208 = arith.constant 0 : i32
      %dma_wait3A_209 = arith.constant 0 : i32
      %dma_wait3A_210 = tpu.memref_slice %arg4[%dma_wait3A_208, %dma_wait3A_209] : memref<512x64xf32, #tpu.memory_space<hbm>> -> memref<200x64xf32, #tpu.memory_space<hbm>>
      %dma_wait3A_211 = arith.constant 0 : i32
      %dma_wait3A_212 = arith.constant 0 : i32
      %dma_wait3A_213 = tpu.memref_slice %arg4[%dma_wait3A_211, %dma_wait3A_212] : memref<512x64xf32, #tpu.memory_space<hbm>> -> memref<200x64xf32, #tpu.memory_space<hbm>>
      tpu.wait_dma2 semaphore(%run_scoped3A : memref<!tpu.dma_semaphore, #tpu.memory_space<semaphore_mem>>) src(%dma_wait3A_213 : memref<200x64xf32, #tpu.memory_space<hbm>>) dst(%arg8 : memref<200x64xf32, #tpu.memory_space<vmem>>)
      tpu.yield
    }) : () -> ()
    %add3A_7 = arith.constant 0 : i32
    %add3A_8 = arith.addi %mul3A_4, %add3A_7 : i32
    "tpu.region"() ({
      %run_scoped3A = tpu.sem_alloc : memref<!tpu.dma_semaphore, #tpu.memory_space<semaphore_mem>>
      %dma_start3A_202 = arith.constant 0 : i32
      %dma_start3A_203 = arith.constant 0 : i32
      %dma_start3A_204 = tpu.memref_slice %arg2[%add3A_8, %dma_start3A_202, %dma_start3A_203] : memref<2048x4x100xi32, #tpu.memory_space<hbm>> -> memref<1x4x100xi32, #tpu.memory_space<hbm>>
      %dma_start3A_205 = tpu.memref_squeeze %dma_start3A_204 : memref<1x4x100xi32, #tpu.memory_space<hbm>> -> memref<4x100xi32, #tpu.memory_space<hbm>>
      %dma_start3A_206 = arith.constant 0 : i32
      %dma_start3A_207 = arith.constant 0 : i32
      %dma_start3A_208 = tpu.memref_slice %arg2[%add3A_8, %dma_start3A_206, %dma_start3A_207] : memref<2048x4x100xi32, #tpu.memory_space<hbm>> -> memref<1x4x100xi32, #tpu.memory_space<hbm>>
      %dma_start3A_209 = tpu.memref_squeeze %dma_start3A_208 : memref<1x4x100xi32, #tpu.memory_space<hbm>> -> memref<4x100xi32, #tpu.memory_space<hbm>>
      tpu.enqueue_dma source(%dma_start3A_209 : memref<4x100xi32, #tpu.memory_space<hbm>>) target(%arg9 : memref<4x100xi32, #tpu.memory_space<vmem>>) target_semaphore(%run_scoped3A : memref<!tpu.dma_semaphore, #tpu.memory_space<semaphore_mem>>)
      %dma_wait3A_210 = arith.constant 0 : i32
      %dma_wait3A_211 = arith.constant 0 : i32
      %dma_wait3A_212 = tpu.memref_slice %arg2[%add3A_8, %dma_wait3A_210, %dma_wait3A_211] : memref<2048x4x100xi32, #tpu.memory_space<hbm>> -> memref<1x4x100xi32, #tpu.memory_space<hbm>>
      %dma_wait3A_213 = tpu.memref_squeeze %dma_wait3A_212 : memref<1x4x100xi32, #tpu.memory_space<hbm>> -> memref<4x100xi32, #tpu.memory_space<hbm>>
      %dma_wait3A_214 = arith.constant 0 : i32
      %dma_wait3A_215 = arith.constant 0 : i32
      %dma_wait3A_216 = tpu.memref_slice %arg2[%add3A_8, %dma_wait3A_214, %dma_wait3A_215] : memref<2048x4x100xi32, #tpu.memory_space<hbm>> -> memref<1x4x100xi32, #tpu.memory_space<hbm>>
      %dma_wait3A_217 = tpu.memref_squeeze %dma_wait3A_216 : memref<1x4x100xi32, #tpu.memory_space<hbm>> -> memref<4x100xi32, #tpu.memory_space<hbm>>
      tpu.wait_dma2 semaphore(%run_scoped3A : memref<!tpu.dma_semaphore, #tpu.memory_space<semaphore_mem>>) src(%dma_wait3A_217 : memref<4x100xi32, #tpu.memory_space<hbm>>) dst(%arg9 : memref<4x100xi32, #tpu.memory_space<vmem>>)
      tpu.yield
    }) : () -> ()
    %dma_start3A = arith.constant 0 : i32
    %dma_start3A_9 = arith.constant 0 : i32
    %dma_start3A_10 = arith.constant 0 : i32
    %dma_start3A_11 = tpu.memref_slice %arg13[%dma_start3A_9, %dma_start3A_10] : memref<400x64xf32, #tpu.memory_space<vmem>> -> memref<100x64xf32, #tpu.memory_space<vmem>>
    %dma_start3A_12 = arith.constant 0 : i32
    %dma_start3A_13 = tpu.memref_slice %arg9[%dma_start3A, %dma_start3A_12] : memref<4x100xi32, #tpu.memory_space<vmem>> -> memref<1x100xi32, #tpu.memory_space<vmem>>
    %dma_start3A_14 = tpu.memref_squeeze %dma_start3A_13 : memref<1x100xi32, #tpu.memory_space<vmem>> -> memref<100xi32, #tpu.memory_space<vmem>>
    %dma_start3A_15 = arith.constant 0 : i32
    %dma_start3A_16 = arith.constant 0 : i32
    %dma_start3A_17 = tpu.memref_slice %arg3[%dma_start3A_15, %dma_start3A_16] : memref<1000000x64xf32, #tpu.memory_space<hbm>> -> memref<1000000x64xf32, #tpu.memory_space<hbm>>
    tpu.enqueue_indirect_dma source(%dma_start3A_17 : memref<1000000x64xf32, #tpu.memory_space<hbm>>) target(%dma_start3A_11 : memref<100x64xf32, #tpu.memory_space<vmem>>) offsets(%dma_start3A_14 : memref<100xi32, #tpu.memory_space<vmem>>) semaphore(%arg17 : memref<!tpu.dma_semaphore, #tpu.memory_space<semaphore_mem>>)
    %dma_start3A_18 = arith.constant 1 : i32
    %dma_start3A_19 = arith.constant 100 : i32
    %dma_start3A_20 = arith.constant 0 : i32
    %dma_start3A_21 = tpu.memref_slice %arg13[%dma_start3A_19, %dma_start3A_20] : memref<400x64xf32, #tpu.memory_space<vmem>> -> memref<100x64xf32, #tpu.memory_space<vmem>>
    %dma_start3A_22 = arith.constant 0 : i32
    %dma_start3A_23 = tpu.memref_slice %arg9[%dma_start3A_18, %dma_start3A_22] : memref<4x100xi32, #tpu.memory_space<vmem>> -> memref<1x100xi32, #tpu.memory_space<vmem>>
    %dma_start3A_24 = tpu.memref_squeeze %dma_start3A_23 : memref<1x100xi32, #tpu.memory_space<vmem>> -> memref<100xi32, #tpu.memory_space<vmem>>
    %dma_start3A_25 = arith.constant 0 : i32
    %dma_start3A_26 = arith.constant 0 : i32
    %dma_start3A_27 = tpu.memref_slice %arg3[%dma_start3A_25, %dma_start3A_26] : memref<1000000x64xf32, #tpu.memory_space<hbm>> -> memref<1000000x64xf32, #tpu.memory_space<hbm>>
    tpu.enqueue_indirect_dma source(%dma_start3A_27 : memref<1000000x64xf32, #tpu.memory_space<hbm>>) target(%dma_start3A_21 : memref<100x64xf32, #tpu.memory_space<vmem>>) offsets(%dma_start3A_24 : memref<100xi32, #tpu.memory_space<vmem>>) semaphore(%arg17 : memref<!tpu.dma_semaphore, #tpu.memory_space<semaphore_mem>>)
    %dma_start3A_28 = arith.constant 2 : i32
    %dma_start3A_29 = arith.constant 200 : i32
    %dma_start3A_30 = arith.constant 0 : i32
    %dma_start3A_31 = tpu.memref_slice %arg13[%dma_start3A_29, %dma_start3A_30] : memref<400x64xf32, #tpu.memory_space<vmem>> -> memref<100x64xf32, #tpu.memory_space<vmem>>
    %dma_start3A_32 = arith.constant 0 : i32
    %dma_start3A_33 = tpu.memref_slice %arg9[%dma_start3A_28, %dma_start3A_32] : memref<4x100xi32, #tpu.memory_space<vmem>> -> memref<1x100xi32, #tpu.memory_space<vmem>>
    %dma_start3A_34 = tpu.memref_squeeze %dma_start3A_33 : memref<1x100xi32, #tpu.memory_space<vmem>> -> memref<100xi32, #tpu.memory_space<vmem>>
    %dma_start3A_35 = arith.constant 0 : i32
    %dma_start3A_36 = arith.constant 0 : i32
    %dma_start3A_37 = tpu.memref_slice %arg3[%dma_start3A_35, %dma_start3A_36] : memref<1000000x64xf32, #tpu.memory_space<hbm>> -> memref<1000000x64xf32, #tpu.memory_space<hbm>>
    tpu.enqueue_indirect_dma source(%dma_start3A_37 : memref<1000000x64xf32, #tpu.memory_space<hbm>>) target(%dma_start3A_31 : memref<100x64xf32, #tpu.memory_space<vmem>>) offsets(%dma_start3A_34 : memref<100xi32, #tpu.memory_space<vmem>>) semaphore(%arg17 : memref<!tpu.dma_semaphore, #tpu.memory_space<semaphore_mem>>)
    %dma_start3A_38 = arith.constant 3 : i32
    %dma_start3A_39 = arith.constant 300 : i32
    %dma_start3A_40 = arith.constant 0 : i32
    %dma_start3A_41 = tpu.memref_slice %arg13[%dma_start3A_39, %dma_start3A_40] : memref<400x64xf32, #tpu.memory_space<vmem>> -> memref<100x64xf32, #tpu.memory_space<vmem>>
    %dma_start3A_42 = arith.constant 0 : i32
    %dma_start3A_43 = tpu.memref_slice %arg9[%dma_start3A_38, %dma_start3A_42] : memref<4x100xi32, #tpu.memory_space<vmem>> -> memref<1x100xi32, #tpu.memory_space<vmem>>
    %dma_start3A_44 = tpu.memref_squeeze %dma_start3A_43 : memref<1x100xi32, #tpu.memory_space<vmem>> -> memref<100xi32, #tpu.memory_space<vmem>>
    %dma_start3A_45 = arith.constant 0 : i32
    %dma_start3A_46 = arith.constant 0 : i32
    %dma_start3A_47 = tpu.memref_slice %arg3[%dma_start3A_45, %dma_start3A_46] : memref<1000000x64xf32, #tpu.memory_space<hbm>> -> memref<1000000x64xf32, #tpu.memory_space<hbm>>
    tpu.enqueue_indirect_dma source(%dma_start3A_47 : memref<1000000x64xf32, #tpu.memory_space<hbm>>) target(%dma_start3A_41 : memref<100x64xf32, #tpu.memory_space<vmem>>) offsets(%dma_start3A_44 : memref<100xi32, #tpu.memory_space<vmem>>) semaphore(%arg17 : memref<!tpu.dma_semaphore, #tpu.memory_space<semaphore_mem>>)
    %add3A_48 = arith.constant 1 : i32
    %add3A_49 = arith.addi %mul3A_4, %add3A_48 : i32
    "tpu.region"() ({
      %run_scoped3A = tpu.sem_alloc : memref<!tpu.dma_semaphore, #tpu.memory_space<semaphore_mem>>
      %dma_start3A_202 = arith.constant 0 : i32
      %dma_start3A_203 = arith.constant 0 : i32
      %dma_start3A_204 = tpu.memref_slice %arg2[%add3A_49, %dma_start3A_202, %dma_start3A_203] : memref<2048x4x100xi32, #tpu.memory_space<hbm>> -> memref<1x4x100xi32, #tpu.memory_space<hbm>>
      %dma_start3A_205 = tpu.memref_squeeze %dma_start3A_204 : memref<1x4x100xi32, #tpu.memory_space<hbm>> -> memref<4x100xi32, #tpu.memory_space<hbm>>
      %dma_start3A_206 = arith.constant 0 : i32
      %dma_start3A_207 = arith.constant 0 : i32
      %dma_start3A_208 = tpu.memref_slice %arg2[%add3A_49, %dma_start3A_206, %dma_start3A_207] : memref<2048x4x100xi32, #tpu.memory_space<hbm>> -> memref<1x4x100xi32, #tpu.memory_space<hbm>>
      %dma_start3A_209 = tpu.memref_squeeze %dma_start3A_208 : memref<1x4x100xi32, #tpu.memory_space<hbm>> -> memref<4x100xi32, #tpu.memory_space<hbm>>
      tpu.enqueue_dma source(%dma_start3A_209 : memref<4x100xi32, #tpu.memory_space<hbm>>) target(%arg10 : memref<4x100xi32, #tpu.memory_space<vmem>>) target_semaphore(%run_scoped3A : memref<!tpu.dma_semaphore, #tpu.memory_space<semaphore_mem>>)
      %dma_wait3A_210 = arith.constant 0 : i32
      %dma_wait3A_211 = arith.constant 0 : i32
      %dma_wait3A_212 = tpu.memref_slice %arg2[%add3A_49, %dma_wait3A_210, %dma_wait3A_211] : memref<2048x4x100xi32, #tpu.memory_space<hbm>> -> memref<1x4x100xi32, #tpu.memory_space<hbm>>
      %dma_wait3A_213 = tpu.memref_squeeze %dma_wait3A_212 : memref<1x4x100xi32, #tpu.memory_space<hbm>> -> memref<4x100xi32, #tpu.memory_space<hbm>>
      %dma_wait3A_214 = arith.constant 0 : i32
      %dma_wait3A_215 = arith.constant 0 : i32
      %dma_wait3A_216 = tpu.memref_slice %arg2[%add3A_49, %dma_wait3A_214, %dma_wait3A_215] : memref<2048x4x100xi32, #tpu.memory_space<hbm>> -> memref<1x4x100xi32, #tpu.memory_space<hbm>>
      %dma_wait3A_217 = tpu.memref_squeeze %dma_wait3A_216 : memref<1x4x100xi32, #tpu.memory_space<hbm>> -> memref<4x100xi32, #tpu.memory_space<hbm>>
      tpu.wait_dma2 semaphore(%run_scoped3A : memref<!tpu.dma_semaphore, #tpu.memory_space<semaphore_mem>>) src(%dma_wait3A_217 : memref<4x100xi32, #tpu.memory_space<hbm>>) dst(%arg10 : memref<4x100xi32, #tpu.memory_space<vmem>>)
      tpu.yield
    }) : () -> ()
    %dma_start3A_50 = arith.constant 0 : i32
    %dma_start3A_51 = arith.constant 0 : i32
    %dma_start3A_52 = arith.constant 0 : i32
    %dma_start3A_53 = tpu.memref_slice %arg14[%dma_start3A_51, %dma_start3A_52] : memref<400x64xf32, #tpu.memory_space<vmem>> -> memref<100x64xf32, #tpu.memory_space<vmem>>
    %dma_start3A_54 = arith.constant 0 : i32
    %dma_start3A_55 = tpu.memref_slice %arg10[%dma_start3A_50, %dma_start3A_54] : memref<4x100xi32, #tpu.memory_space<vmem>> -> memref<1x100xi32, #tpu.memory_space<vmem>>
    %dma_start3A_56 = tpu.memref_squeeze %dma_start3A_55 : memref<1x100xi32, #tpu.memory_space<vmem>> -> memref<100xi32, #tpu.memory_space<vmem>>
    %dma_start3A_57 = arith.constant 0 : i32
    %dma_start3A_58 = arith.constant 0 : i32
    %dma_start3A_59 = tpu.memref_slice %arg3[%dma_start3A_57, %dma_start3A_58] : memref<1000000x64xf32, #tpu.memory_space<hbm>> -> memref<1000000x64xf32, #tpu.memory_space<hbm>>
    tpu.enqueue_indirect_dma source(%dma_start3A_59 : memref<1000000x64xf32, #tpu.memory_space<hbm>>) target(%dma_start3A_53 : memref<100x64xf32, #tpu.memory_space<vmem>>) offsets(%dma_start3A_56 : memref<100xi32, #tpu.memory_space<vmem>>) semaphore(%arg18 : memref<!tpu.dma_semaphore, #tpu.memory_space<semaphore_mem>>)
    %dma_start3A_60 = arith.constant 1 : i32
    %dma_start3A_61 = arith.constant 100 : i32
    %dma_start3A_62 = arith.constant 0 : i32
    %dma_start3A_63 = tpu.memref_slice %arg14[%dma_start3A_61, %dma_start3A_62] : memref<400x64xf32, #tpu.memory_space<vmem>> -> memref<100x64xf32, #tpu.memory_space<vmem>>
    %dma_start3A_64 = arith.constant 0 : i32
    %dma_start3A_65 = tpu.memref_slice %arg10[%dma_start3A_60, %dma_start3A_64] : memref<4x100xi32, #tpu.memory_space<vmem>> -> memref<1x100xi32, #tpu.memory_space<vmem>>
    %dma_start3A_66 = tpu.memref_squeeze %dma_start3A_65 : memref<1x100xi32, #tpu.memory_space<vmem>> -> memref<100xi32, #tpu.memory_space<vmem>>
    %dma_start3A_67 = arith.constant 0 : i32
    %dma_start3A_68 = arith.constant 0 : i32
    %dma_start3A_69 = tpu.memref_slice %arg3[%dma_start3A_67, %dma_start3A_68] : memref<1000000x64xf32, #tpu.memory_space<hbm>> -> memref<1000000x64xf32, #tpu.memory_space<hbm>>
    tpu.enqueue_indirect_dma source(%dma_start3A_69 : memref<1000000x64xf32, #tpu.memory_space<hbm>>) target(%dma_start3A_63 : memref<100x64xf32, #tpu.memory_space<vmem>>) offsets(%dma_start3A_66 : memref<100xi32, #tpu.memory_space<vmem>>) semaphore(%arg18 : memref<!tpu.dma_semaphore, #tpu.memory_space<semaphore_mem>>)
    %dma_start3A_70 = arith.constant 2 : i32
    %dma_start3A_71 = arith.constant 200 : i32
    %dma_start3A_72 = arith.constant 0 : i32
    %dma_start3A_73 = tpu.memref_slice %arg14[%dma_start3A_71, %dma_start3A_72] : memref<400x64xf32, #tpu.memory_space<vmem>> -> memref<100x64xf32, #tpu.memory_space<vmem>>
    %dma_start3A_74 = arith.constant 0 : i32
    %dma_start3A_75 = tpu.memref_slice %arg10[%dma_start3A_70, %dma_start3A_74] : memref<4x100xi32, #tpu.memory_space<vmem>> -> memref<1x100xi32, #tpu.memory_space<vmem>>
    %dma_start3A_76 = tpu.memref_squeeze %dma_start3A_75 : memref<1x100xi32, #tpu.memory_space<vmem>> -> memref<100xi32, #tpu.memory_space<vmem>>
    %dma_start3A_77 = arith.constant 0 : i32
    %dma_start3A_78 = arith.constant 0 : i32
    %dma_start3A_79 = tpu.memref_slice %arg3[%dma_start3A_77, %dma_start3A_78] : memref<1000000x64xf32, #tpu.memory_space<hbm>> -> memref<1000000x64xf32, #tpu.memory_space<hbm>>
    tpu.enqueue_indirect_dma source(%dma_start3A_79 : memref<1000000x64xf32, #tpu.memory_space<hbm>>) target(%dma_start3A_73 : memref<100x64xf32, #tpu.memory_space<vmem>>) offsets(%dma_start3A_76 : memref<100xi32, #tpu.memory_space<vmem>>) semaphore(%arg18 : memref<!tpu.dma_semaphore, #tpu.memory_space<semaphore_mem>>)
    %dma_start3A_80 = arith.constant 3 : i32
    %dma_start3A_81 = arith.constant 300 : i32
    %dma_start3A_82 = arith.constant 0 : i32
    %dma_start3A_83 = tpu.memref_slice %arg14[%dma_start3A_81, %dma_start3A_82] : memref<400x64xf32, #tpu.memory_space<vmem>> -> memref<100x64xf32, #tpu.memory_space<vmem>>
    %dma_start3A_84 = arith.constant 0 : i32
    %dma_start3A_85 = tpu.memref_slice %arg10[%dma_start3A_80, %dma_start3A_84] : memref<4x100xi32, #tpu.memory_space<vmem>> -> memref<1x100xi32, #tpu.memory_space<vmem>>
    %dma_start3A_86 = tpu.memref_squeeze %dma_start3A_85 : memref<1x100xi32, #tpu.memory_space<vmem>> -> memref<100xi32, #tpu.memory_space<vmem>>
    %dma_start3A_87 = arith.constant 0 : i32
    %dma_start3A_88 = arith.constant 0 : i32
    %dma_start3A_89 = tpu.memref_slice %arg3[%dma_start3A_87, %dma_start3A_88] : memref<1000000x64xf32, #tpu.memory_space<hbm>> -> memref<1000000x64xf32, #tpu.memory_space<hbm>>
    tpu.enqueue_indirect_dma source(%dma_start3A_89 : memref<1000000x64xf32, #tpu.memory_space<hbm>>) target(%dma_start3A_83 : memref<100x64xf32, #tpu.memory_space<vmem>>) offsets(%dma_start3A_86 : memref<100xi32, #tpu.memory_space<vmem>>) semaphore(%arg18 : memref<!tpu.dma_semaphore, #tpu.memory_space<semaphore_mem>>)
    %add3A_90 = arith.constant 2 : i32
    %add3A_91 = arith.addi %mul3A_4, %add3A_90 : i32
    "tpu.region"() ({
      %run_scoped3A = tpu.sem_alloc : memref<!tpu.dma_semaphore, #tpu.memory_space<semaphore_mem>>
      %dma_start3A_202 = arith.constant 0 : i32
      %dma_start3A_203 = arith.constant 0 : i32
      %dma_start3A_204 = tpu.memref_slice %arg2[%add3A_91, %dma_start3A_202, %dma_start3A_203] : memref<2048x4x100xi32, #tpu.memory_space<hbm>> -> memref<1x4x100xi32, #tpu.memory_space<hbm>>
      %dma_start3A_205 = tpu.memref_squeeze %dma_start3A_204 : memref<1x4x100xi32, #tpu.memory_space<hbm>> -> memref<4x100xi32, #tpu.memory_space<hbm>>
      %dma_start3A_206 = arith.constant 0 : i32
      %dma_start3A_207 = arith.constant 0 : i32
      %dma_start3A_208 = tpu.memref_slice %arg2[%add3A_91, %dma_start3A_206, %dma_start3A_207] : memref<2048x4x100xi32, #tpu.memory_space<hbm>> -> memref<1x4x100xi32, #tpu.memory_space<hbm>>
      %dma_start3A_209 = tpu.memref_squeeze %dma_start3A_208 : memref<1x4x100xi32, #tpu.memory_space<hbm>> -> memref<4x100xi32, #tpu.memory_space<hbm>>
      tpu.enqueue_dma source(%dma_start3A_209 : memref<4x100xi32, #tpu.memory_space<hbm>>) target(%arg11 : memref<4x100xi32, #tpu.memory_space<vmem>>) target_semaphore(%run_scoped3A : memref<!tpu.dma_semaphore, #tpu.memory_space<semaphore_mem>>)
      %dma_wait3A_210 = arith.constant 0 : i32
      %dma_wait3A_211 = arith.constant 0 : i32
      %dma_wait3A_212 = tpu.memref_slice %arg2[%add3A_91, %dma_wait3A_210, %dma_wait3A_211] : memref<2048x4x100xi32, #tpu.memory_space<hbm>> -> memref<1x4x100xi32, #tpu.memory_space<hbm>>
      %dma_wait3A_213 = tpu.memref_squeeze %dma_wait3A_212 : memref<1x4x100xi32, #tpu.memory_space<hbm>> -> memref<4x100xi32, #tpu.memory_space<hbm>>
      %dma_wait3A_214 = arith.constant 0 : i32
      %dma_wait3A_215 = arith.constant 0 : i32
      %dma_wait3A_216 = tpu.memref_slice %arg2[%add3A_91, %dma_wait3A_214, %dma_wait3A_215] : memref<2048x4x100xi32, #tpu.memory_space<hbm>> -> memref<1x4x100xi32, #tpu.memory_space<hbm>>
      %dma_wait3A_217 = tpu.memref_squeeze %dma_wait3A_216 : memref<1x4x100xi32, #tpu.memory_space<hbm>> -> memref<4x100xi32, #tpu.memory_space<hbm>>
      tpu.wait_dma2 semaphore(%run_scoped3A : memref<!tpu.dma_semaphore, #tpu.memory_space<semaphore_mem>>) src(%dma_wait3A_217 : memref<4x100xi32, #tpu.memory_space<hbm>>) dst(%arg11 : memref<4x100xi32, #tpu.memory_space<vmem>>)
      tpu.yield
    }) : () -> ()
    %dma_start3A_92 = arith.constant 0 : i32
    %dma_start3A_93 = arith.constant 0 : i32
    %dma_start3A_94 = arith.constant 0 : i32
    %dma_start3A_95 = tpu.memref_slice %arg15[%dma_start3A_93, %dma_start3A_94] : memref<400x64xf32, #tpu.memory_space<vmem>> -> memref<100x64xf32, #tpu.memory_space<vmem>>
    %dma_start3A_96 = arith.constant 0 : i32
    %dma_start3A_97 = tpu.memref_slice %arg11[%dma_start3A_92, %dma_start3A_96] : memref<4x100xi32, #tpu.memory_space<vmem>> -> memref<1x100xi32, #tpu.memory_space<vmem>>
    %dma_start3A_98 = tpu.memref_squeeze %dma_start3A_97 : memref<1x100xi32, #tpu.memory_space<vmem>> -> memref<100xi32, #tpu.memory_space<vmem>>
    %dma_start3A_99 = arith.constant 0 : i32
    %dma_start3A_100 = arith.constant 0 : i32
    %dma_start3A_101 = tpu.memref_slice %arg3[%dma_start3A_99, %dma_start3A_100] : memref<1000000x64xf32, #tpu.memory_space<hbm>> -> memref<1000000x64xf32, #tpu.memory_space<hbm>>
    tpu.enqueue_indirect_dma source(%dma_start3A_101 : memref<1000000x64xf32, #tpu.memory_space<hbm>>) target(%dma_start3A_95 : memref<100x64xf32, #tpu.memory_space<vmem>>) offsets(%dma_start3A_98 : memref<100xi32, #tpu.memory_space<vmem>>) semaphore(%arg19 : memref<!tpu.dma_semaphore, #tpu.memory_space<semaphore_mem>>)
    %dma_start3A_102 = arith.constant 1 : i32
    %dma_start3A_103 = arith.constant 100 : i32
    %dma_start3A_104 = arith.constant 0 : i32
    %dma_start3A_105 = tpu.memref_slice %arg15[%dma_start3A_103, %dma_start3A_104] : memref<400x64xf32, #tpu.memory_space<vmem>> -> memref<100x64xf32, #tpu.memory_space<vmem>>
    %dma_start3A_106 = arith.constant 0 : i32
    %dma_start3A_107 = tpu.memref_slice %arg11[%dma_start3A_102, %dma_start3A_106] : memref<4x100xi32, #tpu.memory_space<vmem>> -> memref<1x100xi32, #tpu.memory_space<vmem>>
    %dma_start3A_108 = tpu.memref_squeeze %dma_start3A_107 : memref<1x100xi32, #tpu.memory_space<vmem>> -> memref<100xi32, #tpu.memory_space<vmem>>
    %dma_start3A_109 = arith.constant 0 : i32
    %dma_start3A_110 = arith.constant 0 : i32
    %dma_start3A_111 = tpu.memref_slice %arg3[%dma_start3A_109, %dma_start3A_110] : memref<1000000x64xf32, #tpu.memory_space<hbm>> -> memref<1000000x64xf32, #tpu.memory_space<hbm>>
    tpu.enqueue_indirect_dma source(%dma_start3A_111 : memref<1000000x64xf32, #tpu.memory_space<hbm>>) target(%dma_start3A_105 : memref<100x64xf32, #tpu.memory_space<vmem>>) offsets(%dma_start3A_108 : memref<100xi32, #tpu.memory_space<vmem>>) semaphore(%arg19 : memref<!tpu.dma_semaphore, #tpu.memory_space<semaphore_mem>>)
    %dma_start3A_112 = arith.constant 2 : i32
    %dma_start3A_113 = arith.constant 200 : i32
    %dma_start3A_114 = arith.constant 0 : i32
    %dma_start3A_115 = tpu.memref_slice %arg15[%dma_start3A_113, %dma_start3A_114] : memref<400x64xf32, #tpu.memory_space<vmem>> -> memref<100x64xf32, #tpu.memory_space<vmem>>
    %dma_start3A_116 = arith.constant 0 : i32
    %dma_start3A_117 = tpu.memref_slice %arg11[%dma_start3A_112, %dma_start3A_116] : memref<4x100xi32, #tpu.memory_space<vmem>> -> memref<1x100xi32, #tpu.memory_space<vmem>>
    %dma_start3A_118 = tpu.memref_squeeze %dma_start3A_117 : memref<1x100xi32, #tpu.memory_space<vmem>> -> memref<100xi32, #tpu.memory_space<vmem>>
    %dma_start3A_119 = arith.constant 0 : i32
    %dma_start3A_120 = arith.constant 0 : i32
    %dma_start3A_121 = tpu.memref_slice %arg3[%dma_start3A_119, %dma_start3A_120] : memref<1000000x64xf32, #tpu.memory_space<hbm>> -> memref<1000000x64xf32, #tpu.memory_space<hbm>>
    tpu.enqueue_indirect_dma source(%dma_start3A_121 : memref<1000000x64xf32, #tpu.memory_space<hbm>>) target(%dma_start3A_115 : memref<100x64xf32, #tpu.memory_space<vmem>>) offsets(%dma_start3A_118 : memref<100xi32, #tpu.memory_space<vmem>>) semaphore(%arg19 : memref<!tpu.dma_semaphore, #tpu.memory_space<semaphore_mem>>)
    %dma_start3A_122 = arith.constant 3 : i32
    %dma_start3A_123 = arith.constant 300 : i32
    %dma_start3A_124 = arith.constant 0 : i32
    %dma_start3A_125 = tpu.memref_slice %arg15[%dma_start3A_123, %dma_start3A_124] : memref<400x64xf32, #tpu.memory_space<vmem>> -> memref<100x64xf32, #tpu.memory_space<vmem>>
    %dma_start3A_126 = arith.constant 0 : i32
    %dma_start3A_127 = tpu.memref_slice %arg11[%dma_start3A_122, %dma_start3A_126] : memref<4x100xi32, #tpu.memory_space<vmem>> -> memref<1x100xi32, #tpu.memory_space<vmem>>
    %dma_start3A_128 = tpu.memref_squeeze %dma_start3A_127 : memref<1x100xi32, #tpu.memory_space<vmem>> -> memref<100xi32, #tpu.memory_space<vmem>>
    %dma_start3A_129 = arith.constant 0 : i32
    %dma_start3A_130 = arith.constant 0 : i32
    %dma_start3A_131 = tpu.memref_slice %arg3[%dma_start3A_129, %dma_start3A_130] : memref<1000000x64xf32, #tpu.memory_space<hbm>> -> memref<1000000x64xf32, #tpu.memory_space<hbm>>
    tpu.enqueue_indirect_dma source(%dma_start3A_131 : memref<1000000x64xf32, #tpu.memory_space<hbm>>) target(%dma_start3A_125 : memref<100x64xf32, #tpu.memory_space<vmem>>) offsets(%dma_start3A_128 : memref<100xi32, #tpu.memory_space<vmem>>) semaphore(%arg19 : memref<!tpu.dma_semaphore, #tpu.memory_space<semaphore_mem>>)
    %add3A_132 = arith.constant 3 : i32
    %add3A_133 = arith.addi %mul3A_4, %add3A_132 : i32
    "tpu.region"() ({
      %run_scoped3A = tpu.sem_alloc : memref<!tpu.dma_semaphore, #tpu.memory_space<semaphore_mem>>
      %dma_start3A_202 = arith.constant 0 : i32
      %dma_start3A_203 = arith.constant 0 : i32
      %dma_start3A_204 = tpu.memref_slice %arg2[%add3A_133, %dma_start3A_202, %dma_start3A_203] : memref<2048x4x100xi32, #tpu.memory_space<hbm>> -> memref<1x4x100xi32, #tpu.memory_space<hbm>>
      %dma_start3A_205 = tpu.memref_squeeze %dma_start3A_204 : memref<1x4x100xi32, #tpu.memory_space<hbm>> -> memref<4x100xi32, #tpu.memory_space<hbm>>
      %dma_start3A_206 = arith.constant 0 : i32
      %dma_start3A_207 = arith.constant 0 : i32
      %dma_start3A_208 = tpu.memref_slice %arg2[%add3A_133, %dma_start3A_206, %dma_start3A_207] : memref<2048x4x100xi32, #tpu.memory_space<hbm>> -> memref<1x4x100xi32, #tpu.memory_space<hbm>>
      %dma_start3A_209 = tpu.memref_squeeze %dma_start3A_208 : memref<1x4x100xi32, #tpu.memory_space<hbm>> -> memref<4x100xi32, #tpu.memory_space<hbm>>
      tpu.enqueue_dma source(%dma_start3A_209 : memref<4x100xi32, #tpu.memory_space<hbm>>) target(%arg12 : memref<4x100xi32, #tpu.memory_space<vmem>>) target_semaphore(%run_scoped3A : memref<!tpu.dma_semaphore, #tpu.memory_space<semaphore_mem>>)
      %dma_wait3A_210 = arith.constant 0 : i32
      %dma_wait3A_211 = arith.constant 0 : i32
      %dma_wait3A_212 = tpu.memref_slice %arg2[%add3A_133, %dma_wait3A_210, %dma_wait3A_211] : memref<2048x4x100xi32, #tpu.memory_space<hbm>> -> memref<1x4x100xi32, #tpu.memory_space<hbm>>
      %dma_wait3A_213 = tpu.memref_squeeze %dma_wait3A_212 : memref<1x4x100xi32, #tpu.memory_space<hbm>> -> memref<4x100xi32, #tpu.memory_space<hbm>>
      %dma_wait3A_214 = arith.constant 0 : i32
      %dma_wait3A_215 = arith.constant 0 : i32
      %dma_wait3A_216 = tpu.memref_slice %arg2[%add3A_133, %dma_wait3A_214, %dma_wait3A_215] : memref<2048x4x100xi32, #tpu.memory_space<hbm>> -> memref<1x4x100xi32, #tpu.memory_space<hbm>>
      %dma_wait3A_217 = tpu.memref_squeeze %dma_wait3A_216 : memref<1x4x100xi32, #tpu.memory_space<hbm>> -> memref<4x100xi32, #tpu.memory_space<hbm>>
      tpu.wait_dma2 semaphore(%run_scoped3A : memref<!tpu.dma_semaphore, #tpu.memory_space<semaphore_mem>>) src(%dma_wait3A_217 : memref<4x100xi32, #tpu.memory_space<hbm>>) dst(%arg12 : memref<4x100xi32, #tpu.memory_space<vmem>>)
      tpu.yield
    }) : () -> ()
    %dma_start3A_134 = arith.constant 0 : i32
    %dma_start3A_135 = arith.constant 0 : i32
    %dma_start3A_136 = arith.constant 0 : i32
    %dma_start3A_137 = tpu.memref_slice %arg16[%dma_start3A_135, %dma_start3A_136] : memref<400x64xf32, #tpu.memory_space<vmem>> -> memref<100x64xf32, #tpu.memory_space<vmem>>
    %dma_start3A_138 = arith.constant 0 : i32
    %dma_start3A_139 = tpu.memref_slice %arg12[%dma_start3A_134, %dma_start3A_138] : memref<4x100xi32, #tpu.memory_space<vmem>> -> memref<1x100xi32, #tpu.memory_space<vmem>>
    %dma_start3A_140 = tpu.memref_squeeze %dma_start3A_139 : memref<1x100xi32, #tpu.memory_space<vmem>> -> memref<100xi32, #tpu.memory_space<vmem>>
    %dma_start3A_141 = arith.constant 0 : i32
    %dma_start3A_142 = arith.constant 0 : i32
    %dma_start3A_143 = tpu.memref_slice %arg3[%dma_start3A_141, %dma_start3A_142] : memref<1000000x64xf32, #tpu.memory_space<hbm>> -> memref<1000000x64xf32, #tpu.memory_space<hbm>>
    tpu.enqueue_indirect_dma source(%dma_start3A_143 : memref<1000000x64xf32, #tpu.memory_space<hbm>>) target(%dma_start3A_137 : memref<100x64xf32, #tpu.memory_space<vmem>>) offsets(%dma_start3A_140 : memref<100xi32, #tpu.memory_space<vmem>>) semaphore(%arg20 : memref<!tpu.dma_semaphore, #tpu.memory_space<semaphore_mem>>)
    %dma_start3A_144 = arith.constant 1 : i32
    %dma_start3A_145 = arith.constant 100 : i32
    %dma_start3A_146 = arith.constant 0 : i32
    %dma_start3A_147 = tpu.memref_slice %arg16[%dma_start3A_145, %dma_start3A_146] : memref<400x64xf32, #tpu.memory_space<vmem>> -> memref<100x64xf32, #tpu.memory_space<vmem>>
    %dma_start3A_148 = arith.constant 0 : i32
    %dma_start3A_149 = tpu.memref_slice %arg12[%dma_start3A_144, %dma_start3A_148] : memref<4x100xi32, #tpu.memory_space<vmem>> -> memref<1x100xi32, #tpu.memory_space<vmem>>
    %dma_start3A_150 = tpu.memref_squeeze %dma_start3A_149 : memref<1x100xi32, #tpu.memory_space<vmem>> -> memref<100xi32, #tpu.memory_space<vmem>>
    %dma_start3A_151 = arith.constant 0 : i32
    %dma_start3A_152 = arith.constant 0 : i32
    %dma_start3A_153 = tpu.memref_slice %arg3[%dma_start3A_151, %dma_start3A_152] : memref<1000000x64xf32, #tpu.memory_space<hbm>> -> memref<1000000x64xf32, #tpu.memory_space<hbm>>
    tpu.enqueue_indirect_dma source(%dma_start3A_153 : memref<1000000x64xf32, #tpu.memory_space<hbm>>) target(%dma_start3A_147 : memref<100x64xf32, #tpu.memory_space<vmem>>) offsets(%dma_start3A_150 : memref<100xi32, #tpu.memory_space<vmem>>) semaphore(%arg20 : memref<!tpu.dma_semaphore, #tpu.memory_space<semaphore_mem>>)
    %dma_start3A_154 = arith.constant 2 : i32
    %dma_start3A_155 = arith.constant 200 : i32
    %dma_start3A_156 = arith.constant 0 : i32
    %dma_start3A_157 = tpu.memref_slice %arg16[%dma_start3A_155, %dma_start3A_156] : memref<400x64xf32, #tpu.memory_space<vmem>> -> memref<100x64xf32, #tpu.memory_space<vmem>>
    %dma_start3A_158 = arith.constant 0 : i32
    %dma_start3A_159 = tpu.memref_slice %arg12[%dma_start3A_154, %dma_start3A_158] : memref<4x100xi32, #tpu.memory_space<vmem>> -> memref<1x100xi32, #tpu.memory_space<vmem>>
    %dma_start3A_160 = tpu.memref_squeeze %dma_start3A_159 : memref<1x100xi32, #tpu.memory_space<vmem>> -> memref<100xi32, #tpu.memory_space<vmem>>
    %dma_start3A_161 = arith.constant 0 : i32
    %dma_start3A_162 = arith.constant 0 : i32
    %dma_start3A_163 = tpu.memref_slice %arg3[%dma_start3A_161, %dma_start3A_162] : memref<1000000x64xf32, #tpu.memory_space<hbm>> -> memref<1000000x64xf32, #tpu.memory_space<hbm>>
    tpu.enqueue_indirect_dma source(%dma_start3A_163 : memref<1000000x64xf32, #tpu.memory_space<hbm>>) target(%dma_start3A_157 : memref<100x64xf32, #tpu.memory_space<vmem>>) offsets(%dma_start3A_160 : memref<100xi32, #tpu.memory_space<vmem>>) semaphore(%arg20 : memref<!tpu.dma_semaphore, #tpu.memory_space<semaphore_mem>>)
    %dma_start3A_164 = arith.constant 3 : i32
    %dma_start3A_165 = arith.constant 300 : i32
    %dma_start3A_166 = arith.constant 0 : i32
    %dma_start3A_167 = tpu.memref_slice %arg16[%dma_start3A_165, %dma_start3A_166] : memref<400x64xf32, #tpu.memory_space<vmem>> -> memref<100x64xf32, #tpu.memory_space<vmem>>
    %dma_start3A_168 = arith.constant 0 : i32
    %dma_start3A_169 = tpu.memref_slice %arg12[%dma_start3A_164, %dma_start3A_168] : memref<4x100xi32, #tpu.memory_space<vmem>> -> memref<1x100xi32, #tpu.memory_space<vmem>>
    %dma_start3A_170 = tpu.memref_squeeze %dma_start3A_169 : memref<1x100xi32, #tpu.memory_space<vmem>> -> memref<100xi32, #tpu.memory_space<vmem>>
    %dma_start3A_171 = arith.constant 0 : i32
    %dma_start3A_172 = arith.constant 0 : i32
    %dma_start3A_173 = tpu.memref_slice %arg3[%dma_start3A_171, %dma_start3A_172] : memref<1000000x64xf32, #tpu.memory_space<hbm>> -> memref<1000000x64xf32, #tpu.memory_space<hbm>>
    tpu.enqueue_indirect_dma source(%dma_start3A_173 : memref<1000000x64xf32, #tpu.memory_space<hbm>>) target(%dma_start3A_167 : memref<100x64xf32, #tpu.memory_space<vmem>>) offsets(%dma_start3A_170 : memref<100xi32, #tpu.memory_space<vmem>>) semaphore(%arg20 : memref<!tpu.dma_semaphore, #tpu.memory_space<semaphore_mem>>)
    %scan3A = arith.constant 0 : i32
    %scan3A_174 = arith.constant 0 : i32
    %scan3A_175 = arith.constant 16 : i32
    %scan3A_176 = arith.addi %scan3A_174, %scan3A_175 : i32
    %scan3A_177 = arith.constant 1 : i32
    scf.for %scan3A_202 = %scan3A_174 to %scan3A_176 step %scan3A_177  : i32 {
      %mul3A_203 = arith.constant 4 : i32
      %mul3A_204 = arith.muli %scan3A_202, %mul3A_203 : i32
      %add3A_205 = arith.constant 0 : i32
      %add3A_206 = arith.addi %mul3A_204, %add3A_205 : i32
      %dma_wait3A_207 = arith.constant 0 : i32
      %dma_wait3A_208 = arith.constant 0 : i32
      %dma_wait3A_209 = tpu.memref_slice %arg6[%dma_wait3A_207, %dma_wait3A_208] : memref<819200x64xf32, #tpu.memory_space<hbm>> -> memref<400x64xf32, #tpu.memory_space<hbm>>
      %dma_wait3A_210 = arith.constant 0 : i32
      %dma_wait3A_211 = arith.constant 0 : i32
      %dma_wait3A_212 = tpu.memref_slice %arg6[%dma_wait3A_210, %dma_wait3A_211] : memref<819200x64xf32, #tpu.memory_space<hbm>> -> memref<400x64xf32, #tpu.memory_space<hbm>>
      tpu.wait_dma2 semaphore(%arg17 : memref<!tpu.dma_semaphore, #tpu.memory_space<semaphore_mem>>) src(%dma_wait3A_212 : memref<400x64xf32, #tpu.memory_space<hbm>>) dst(%arg13 : memref<400x64xf32, #tpu.memory_space<vmem>>)
      %scan3A_213 = arith.constant 0 : i32
      %scan3A_214 = arith.constant 0 : i32
      %scan3A_215 = arith.constant 200 : i32
      %scan3A_216 = arith.addi %scan3A_214, %scan3A_215 : i32
      %scan3A_217 = arith.constant 1 : i32
      scf.for %scan3A_339 = %scan3A_214 to %scan3A_216 step %scan3A_217  : i32 {
        %get3A = arith.index_cast %scan3A_339 : i32 to index
        %get3A_340 = arith.constant 0 : index
        %get3A_341 = tpu.vector_load %arg8[%get3A, %get3A_340] {strides = array<i32>} : memref<200x64xf32, #tpu.memory_space<vmem>>, vector<1x16xf32>,
        %get3A_342 = vector.shape_cast %get3A_341 : vector<1x16xf32> to vector<16xf32>
        %get3A_343 = arith.index_cast %scan3A_339 : i32 to index
        %get3A_344 = arith.constant 16 : index
        %get3A_345 = tpu.vector_load %arg8[%get3A_343, %get3A_344] {strides = array<i32>} : memref<200x64xf32, #tpu.memory_space<vmem>>, vector<1x16xf32>,
        %get3A_346 = vector.shape_cast %get3A_345 : vector<1x16xf32> to vector<16xf32>
        %get3A_347 = arith.index_cast %scan3A_339 : i32 to index
        %get3A_348 = arith.constant 32 : index
        %get3A_349 = tpu.vector_load %arg8[%get3A_347, %get3A_348] {strides = array<i32>} : memref<200x64xf32, #tpu.memory_space<vmem>>, vector<1x16xf32>,
        %get3A_350 = vector.shape_cast %get3A_349 : vector<1x16xf32> to vector<16xf32>
        %get3A_351 = arith.index_cast %scan3A_339 : i32 to index
        %get3A_352 = arith.constant 48 : index
        %get3A_353 = tpu.vector_load %arg8[%get3A_351, %get3A_352] {strides = array<i32>} : memref<200x64xf32, #tpu.memory_space<vmem>>, vector<1x16xf32>,
        %get3A_354 = vector.shape_cast %get3A_353 : vector<1x16xf32> to vector<16xf32>
        %add3A_355 = arith.constant 0 : i32
        %add3A_356 = arith.addi %add3A_355, %scan3A_339 : i32
        %get3A_357 = arith.index_cast %add3A_356 : i32 to index
        %get3A_358 = arith.constant 0 : index
        %get3A_359 = tpu.vector_load %arg13[%get3A_357, %get3A_358] {strides = array<i32>} : memref<400x64xf32, #tpu.memory_space<vmem>>, vector<1x16xf32>,
        %get3A_360 = vector.shape_cast %get3A_359 : vector<1x16xf32> to vector<16xf32>
        %add3A_361 = arith.addf %get3A_360, %get3A_342 : vector<16xf32>
        %swap3A = arith.index_cast %add3A_356 : i32 to index
        %swap3A_362 = arith.constant 0 : index
        %swap3A_363 = tpu.vector_load %arg13[%swap3A, %swap3A_362] {strides = array<i32>} : memref<400x64xf32, #tpu.memory_space<vmem>>, vector<1x16xf32>,
        %swap3A_364 = vector.shape_cast %swap3A_363 : vector<1x16xf32> to vector<16xf32>
        %swap3A_365 = vector.shape_cast %add3A_361 : vector<16xf32> to vector<1x16xf32>
        tpu.vector_store %arg13[%swap3A, %swap3A_362], %swap3A_365 {strides = array<i32>} : memref<400x64xf32, #tpu.memory_space<vmem>>, vector<1x16xf32>,
        %get3A_366 = arith.index_cast %add3A_356 : i32 to index
        %get3A_367 = arith.constant 16 : index
        %get3A_368 = tpu.vector_load %arg13[%get3A_366, %get3A_367] {strides = array<i32>} : memref<400x64xf32, #tpu.memory_space<vmem>>, vector<1x16xf32>,
        %get3A_369 = vector.shape_cast %get3A_368 : vector<1x16xf32> to vector<16xf32>
        %add3A_370 = arith.addf %get3A_369, %get3A_346 : vector<16xf32>
        %swap3A_371 = arith.index_cast %add3A_356 : i32 to index
        %swap3A_372 = arith.constant 16 : index
        %swap3A_373 = tpu.vector_load %arg13[%swap3A_371, %swap3A_372] {strides = array<i32>} : memref<400x64xf32, #tpu.memory_space<vmem>>, vector<1x16xf32>,
        %swap3A_374 = vector.shape_cast %swap3A_373 : vector<1x16xf32> to vector<16xf32>
        %swap3A_375 = vector.shape_cast %add3A_370 : vector<16xf32> to vector<1x16xf32>
        tpu.vector_store %arg13[%swap3A_371, %swap3A_372], %swap3A_375 {strides = array<i32>} : memref<400x64xf32, #tpu.memory_space<vmem>>, vector<1x16xf32>,
        %get3A_376 = arith.index_cast %add3A_356 : i32 to index
        %get3A_377 = arith.constant 32 : index
        %get3A_378 = tpu.vector_load %arg13[%get3A_376, %get3A_377] {strides = array<i32>} : memref<400x64xf32, #tpu.memory_space<vmem>>, vector<1x16xf32>,
        %get3A_379 = vector.shape_cast %get3A_378 : vector<1x16xf32> to vector<16xf32>
        %add3A_380 = arith.addf %get3A_379, %get3A_350 : vector<16xf32>
        %swap3A_381 = arith.index_cast %add3A_356 : i32 to index
        %swap3A_382 = arith.constant 32 : index
        %swap3A_383 = tpu.vector_load %arg13[%swap3A_381, %swap3A_382] {strides = array<i32>} : memref<400x64xf32, #tpu.memory_space<vmem>>, vector<1x16xf32>,
        %swap3A_384 = vector.shape_cast %swap3A_383 : vector<1x16xf32> to vector<16xf32>
        %swap3A_385 = vector.shape_cast %add3A_380 : vector<16xf32> to vector<1x16xf32>
        tpu.vector_store %arg13[%swap3A_381, %swap3A_382], %swap3A_385 {strides = array<i32>} : memref<400x64xf32, #tpu.memory_space<vmem>>, vector<1x16xf32>,
        %get3A_386 = arith.index_cast %add3A_356 : i32 to index
        %get3A_387 = arith.constant 48 : index
        %get3A_388 = tpu.vector_load %arg13[%get3A_386, %get3A_387] {strides = array<i32>} : memref<400x64xf32, #tpu.memory_space<vmem>>, vector<1x16xf32>,
        %get3A_389 = vector.shape_cast %get3A_388 : vector<1x16xf32> to vector<16xf32>
        %add3A_390 = arith.addf %get3A_389, %get3A_354 : vector<16xf32>
        %swap3A_391 = arith.index_cast %add3A_356 : i32 to index
        %swap3A_392 = arith.constant 48 : index
        %swap3A_393 = tpu.vector_load %arg13[%swap3A_391, %swap3A_392] {strides = array<i32>} : memref<400x64xf32, #tpu.memory_space<vmem>>, vector<1x16xf32>,
        %swap3A_394 = vector.shape_cast %swap3A_393 : vector<1x16xf32> to vector<16xf32>
        %swap3A_395 = vector.shape_cast %add3A_390 : vector<16xf32> to vector<1x16xf32>
        tpu.vector_store %arg13[%swap3A_391, %swap3A_392], %swap3A_395 {strides = array<i32>} : memref<400x64xf32, #tpu.memory_space<vmem>>, vector<1x16xf32>,
        %add3A_396 = arith.constant 200 : i32
        %add3A_397 = arith.addi %add3A_396, %scan3A_339 : i32
        %get3A_398 = arith.index_cast %add3A_397 : i32 to index
        %get3A_399 = arith.constant 0 : index
        %get3A_400 = tpu.vector_load %arg13[%get3A_398, %get3A_399] {strides = array<i32>} : memref<400x64xf32, #tpu.memory_space<vmem>>, vector<1x16xf32>,
        %get3A_401 = vector.shape_cast %get3A_400 : vector<1x16xf32> to vector<16xf32>
        %add3A_402 = arith.addf %get3A_401, %get3A_342 : vector<16xf32>
        %swap3A_403 = arith.index_cast %add3A_397 : i32 to index
        %swap3A_404 = arith.constant 0 : index
        %swap3A_405 = tpu.vector_load %arg13[%swap3A_403, %swap3A_404] {strides = array<i32>} : memref<400x64xf32, #tpu.memory_space<vmem>>, vector<1x16xf32>,
        %swap3A_406 = vector.shape_cast %swap3A_405 : vector<1x16xf32> to vector<16xf32>
        %swap3A_407 = vector.shape_cast %add3A_402 : vector<16xf32> to vector<1x16xf32>
        tpu.vector_store %arg13[%swap3A_403, %swap3A_404], %swap3A_407 {strides = array<i32>} : memref<400x64xf32, #tpu.memory_space<vmem>>, vector<1x16xf32>,
        %get3A_408 = arith.index_cast %add3A_397 : i32 to index
        %get3A_409 = arith.constant 16 : index
        %get3A_410 = tpu.vector_load %arg13[%get3A_408, %get3A_409] {strides = array<i32>} : memref<400x64xf32, #tpu.memory_space<vmem>>, vector<1x16xf32>,
        %get3A_411 = vector.shape_cast %get3A_410 : vector<1x16xf32> to vector<16xf32>
        %add3A_412 = arith.addf %get3A_411, %get3A_346 : vector<16xf32>
        %swap3A_413 = arith.index_cast %add3A_397 : i32 to index
        %swap3A_414 = arith.constant 16 : index
        %swap3A_415 = tpu.vector_load %arg13[%swap3A_413, %swap3A_414] {strides = array<i32>} : memref<400x64xf32, #tpu.memory_space<vmem>>, vector<1x16xf32>,
        %swap3A_416 = vector.shape_cast %swap3A_415 : vector<1x16xf32> to vector<16xf32>
        %swap3A_417 = vector.shape_cast %add3A_412 : vector<16xf32> to vector<1x16xf32>
        tpu.vector_store %arg13[%swap3A_413, %swap3A_414], %swap3A_417 {strides = array<i32>} : memref<400x64xf32, #tpu.memory_space<vmem>>, vector<1x16xf32>,
        %get3A_418 = arith.index_cast %add3A_397 : i32 to index
        %get3A_419 = arith.constant 32 : index
        %get3A_420 = tpu.vector_load %arg13[%get3A_418, %get3A_419] {strides = array<i32>} : memref<400x64xf32, #tpu.memory_space<vmem>>, vector<1x16xf32>,
        %get3A_421 = vector.shape_cast %get3A_420 : vector<1x16xf32> to vector<16xf32>
        %add3A_422 = arith.addf %get3A_421, %get3A_350 : vector<16xf32>
        %swap3A_423 = arith.index_cast %add3A_397 : i32 to index
        %swap3A_424 = arith.constant 32 : index
        %swap3A_425 = tpu.vector_load %arg13[%swap3A_423, %swap3A_424] {strides = array<i32>} : memref<400x64xf32, #tpu.memory_space<vmem>>, vector<1x16xf32>,
        %swap3A_426 = vector.shape_cast %swap3A_425 : vector<1x16xf32> to vector<16xf32>
        %swap3A_427 = vector.shape_cast %add3A_422 : vector<16xf32> to vector<1x16xf32>
        tpu.vector_store %arg13[%swap3A_423, %swap3A_424], %swap3A_427 {strides = array<i32>} : memref<400x64xf32, #tpu.memory_space<vmem>>, vector<1x16xf32>,
        %get3A_428 = arith.index_cast %add3A_397 : i32 to index
        %get3A_429 = arith.constant 48 : index
        %get3A_430 = tpu.vector_load %arg13[%get3A_428, %get3A_429] {strides = array<i32>} : memref<400x64xf32, #tpu.memory_space<vmem>>, vector<1x16xf32>,
        %get3A_431 = vector.shape_cast %get3A_430 : vector<1x16xf32> to vector<16xf32>
        %add3A_432 = arith.addf %get3A_431, %get3A_354 : vector<16xf32>
        %swap3A_433 = arith.index_cast %add3A_397 : i32 to index
        %swap3A_434 = arith.constant 48 : index
        %swap3A_435 = tpu.vector_load %arg13[%swap3A_433, %swap3A_434] {strides = array<i32>} : memref<400x64xf32, #tpu.memory_space<vmem>>, vector<1x16xf32>,
        %swap3A_436 = vector.shape_cast %swap3A_435 : vector<1x16xf32> to vector<16xf32>
        %swap3A_437 = vector.shape_cast %add3A_432 : vector<16xf32> to vector<1x16xf32>
        tpu.vector_store %arg13[%swap3A_433, %swap3A_434], %swap3A_437 {strides = array<i32>} : memref<400x64xf32, #tpu.memory_space<vmem>>, vector<1x16xf32>,
      }
      %scan3A_218 = arith.constant 200 : i32
      %mul3A_219 = arith.constant 400 : i32
      %mul3A_220 = arith.muli %add3A_206, %mul3A_219 : i32
      %add3A_221 = arith.addi %mul3A_2, %mul3A_220 : i32
      %dma_start3A_222 = arith.constant 0 : i32
      %dma_start3A_223 = tpu.memref_slice %arg6[%add3A_221, %dma_start3A_222] : memref<819200x64xf32, #tpu.memory_space<hbm>> -> memref<400x64xf32, #tpu.memory_space<hbm>>
      %dma_start3A_224 = arith.constant 0 : i32
      %dma_start3A_225 = tpu.memref_slice %arg6[%add3A_221, %dma_start3A_224] : memref<819200x64xf32, #tpu.memory_space<hbm>> -> memref<400x64xf32, #tpu.memory_space<hbm>>
      tpu.enqueue_dma source(%arg13 : memref<400x64xf32, #tpu.memory_space<vmem>>) target(%dma_start3A_225 : memref<400x64xf32, #tpu.memory_space<hbm>>) target_semaphore(%arg21 : memref<!tpu.dma_semaphore, #tpu.memory_space<semaphore_mem>>)
      %add3A_226 = arith.constant 4 : i32
      %add3A_227 = arith.addi %add3A_206, %add3A_226 : i32
      %sub3A = arith.constant 1 : i32
      %sub3A_228 = arith.subi %add3A_227, %sub3A : i32
      %ge3A = arith.constant 1 : i32
      %ge3A_229 = arith.cmpi sge, %add3A_206, %ge3A : i32
      %lt3A = arith.constant 64 : i32
      %lt3A_230 = arith.cmpi slt, %sub3A_228, %lt3A : i32
      %and3A = arith.andi %ge3A_229, %lt3A_230 : i1
      %convert_element_type3A_231 = arith.extui %and3A : i1 to i32
      %cond3A_232 = arith.constant 0 : i32
      %cond3A_233 = arith.cmpi ne, %convert_element_type3A_231, %cond3A_232 : i32
      scf.if %cond3A_233 {
        %dma_wait3A_339 = arith.constant 0 : i32
        %dma_wait3A_340 = arith.constant 0 : i32
        %dma_wait3A_341 = tpu.memref_slice %arg6[%dma_wait3A_339, %dma_wait3A_340] : memref<819200x64xf32, #tpu.memory_space<hbm>> -> memref<400x64xf32, #tpu.memory_space<hbm>>
        %dma_wait3A_342 = arith.constant 0 : i32
        %dma_wait3A_343 = arith.constant 0 : i32
        %dma_wait3A_344 = tpu.memref_slice %arg6[%dma_wait3A_342, %dma_wait3A_343] : memref<819200x64xf32, #tpu.memory_space<hbm>> -> memref<400x64xf32, #tpu.memory_space<hbm>>
        tpu.wait_dma2 semaphore(%arg24 : memref<!tpu.dma_semaphore, #tpu.memory_space<semaphore_mem>>) src(%arg16 : memref<400x64xf32, #tpu.memory_space<vmem>>) dst(%dma_wait3A_344 : memref<400x64xf32, #tpu.memory_space<hbm>>)
        %add3A_345 = arith.addi %mul3A_4, %sub3A_228 : i32
        "tpu.region"() ({
          %run_scoped3A = tpu.sem_alloc : memref<!tpu.dma_semaphore, #tpu.memory_space<semaphore_mem>>
          %dma_start3A_386 = arith.constant 0 : i32
          %dma_start3A_387 = arith.constant 0 : i32
          %dma_start3A_388 = tpu.memref_slice %arg2[%add3A_345, %dma_start3A_386, %dma_start3A_387] : memref<2048x4x100xi32, #tpu.memory_space<hbm>> -> memref<1x4x100xi32, #tpu.memory_space<hbm>>
          %dma_start3A_389 = tpu.memref_squeeze %dma_start3A_388 : memref<1x4x100xi32, #tpu.memory_space<hbm>> -> memref<4x100xi32, #tpu.memory_space<hbm>>
          %dma_start3A_390 = arith.constant 0 : i32
          %dma_start3A_391 = arith.constant 0 : i32
          %dma_start3A_392 = tpu.memref_slice %arg2[%add3A_345, %dma_start3A_390, %dma_start3A_391] : memref<2048x4x100xi32, #tpu.memory_space<hbm>> -> memref<1x4x100xi32, #tpu.memory_space<hbm>>
          %dma_start3A_393 = tpu.memref_squeeze %dma_start3A_392 : memref<1x4x100xi32, #tpu.memory_space<hbm>> -> memref<4x100xi32, #tpu.memory_space<hbm>>
          tpu.enqueue_dma source(%dma_start3A_393 : memref<4x100xi32, #tpu.memory_space<hbm>>) target(%arg12 : memref<4x100xi32, #tpu.memory_space<vmem>>) target_semaphore(%run_scoped3A : memref<!tpu.dma_semaphore, #tpu.memory_space<semaphore_mem>>)
          %dma_wait3A_394 = arith.constant 0 : i32
          %dma_wait3A_395 = arith.constant 0 : i32
          %dma_wait3A_396 = tpu.memref_slice %arg2[%add3A_345, %dma_wait3A_394, %dma_wait3A_395] : memref<2048x4x100xi32, #tpu.memory_space<hbm>> -> memref<1x4x100xi32, #tpu.memory_space<hbm>>
          %dma_wait3A_397 = tpu.memref_squeeze %dma_wait3A_396 : memref<1x4x100xi32, #tpu.memory_space<hbm>> -> memref<4x100xi32, #tpu.memory_space<hbm>>
          %dma_wait3A_398 = arith.constant 0 : i32
          %dma_wait3A_399 = arith.constant 0 : i32
          %dma_wait3A_400 = tpu.memref_slice %arg2[%add3A_345, %dma_wait3A_398, %dma_wait3A_399] : memref<2048x4x100xi32, #tpu.memory_space<hbm>> -> memref<1x4x100xi32, #tpu.memory_space<hbm>>
          %dma_wait3A_401 = tpu.memref_squeeze %dma_wait3A_400 : memref<1x4x100xi32, #tpu.memory_space<hbm>> -> memref<4x100xi32, #tpu.memory_space<hbm>>
          tpu.wait_dma2 semaphore(%run_scoped3A : memref<!tpu.dma_semaphore, #tpu.memory_space<semaphore_mem>>) src(%dma_wait3A_401 : memref<4x100xi32, #tpu.memory_space<hbm>>) dst(%arg12 : memref<4x100xi32, #tpu.memory_space<vmem>>)
          tpu.yield
        }) : () -> ()
        %dma_start3A_346 = arith.constant 0 : i32
        %dma_start3A_347 = arith.constant 0 : i32
        %dma_start3A_348 = arith.constant 0 : i32
        %dma_start3A_349 = tpu.memref_slice %arg16[%dma_start3A_347, %dma_start3A_348] : memref<400x64xf32, #tpu.memory_space<vmem>> -> memref<100x64xf32, #tpu.memory_space<vmem>>
        %dma_start3A_350 = arith.constant 0 : i32
        %dma_start3A_351 = tpu.memref_slice %arg12[%dma_start3A_346, %dma_start3A_350] : memref<4x100xi32, #tpu.memory_space<vmem>> -> memref<1x100xi32, #tpu.memory_space<vmem>>
        %dma_start3A_352 = tpu.memref_squeeze %dma_start3A_351 : memref<1x100xi32, #tpu.memory_space<vmem>> -> memref<100xi32, #tpu.memory_space<vmem>>
        %dma_start3A_353 = arith.constant 0 : i32
        %dma_start3A_354 = arith.constant 0 : i32
        %dma_start3A_355 = tpu.memref_slice %arg3[%dma_start3A_353, %dma_start3A_354] : memref<1000000x64xf32, #tpu.memory_space<hbm>> -> memref<1000000x64xf32, #tpu.memory_space<hbm>>
        tpu.enqueue_indirect_dma source(%dma_start3A_355 : memref<1000000x64xf32, #tpu.memory_space<hbm>>) target(%dma_start3A_349 : memref<100x64xf32, #tpu.memory_space<vmem>>) offsets(%dma_start3A_352 : memref<100xi32, #tpu.memory_space<vmem>>) semaphore(%arg20 : memref<!tpu.dma_semaphore, #tpu.memory_space<semaphore_mem>>)
        %dma_start3A_356 = arith.constant 1 : i32
        %dma_start3A_357 = arith.constant 100 : i32
        %dma_start3A_358 = arith.constant 0 : i32
        %dma_start3A_359 = tpu.memref_slice %arg16[%dma_start3A_357, %dma_start3A_358] : memref<400x64xf32, #tpu.memory_space<vmem>> -> memref<100x64xf32, #tpu.memory_space<vmem>>
        %dma_start3A_360 = arith.constant 0 : i32
        %dma_start3A_361 = tpu.memref_slice %arg12[%dma_start3A_356, %dma_start3A_360] : memref<4x100xi32, #tpu.memory_space<vmem>> -> memref<1x100xi32, #tpu.memory_space<vmem>>
        %dma_start3A_362 = tpu.memref_squeeze %dma_start3A_361 : memref<1x100xi32, #tpu.memory_space<vmem>> -> memref<100xi32, #tpu.memory_space<vmem>>
        %dma_start3A_363 = arith.constant 0 : i32
        %dma_start3A_364 = arith.constant 0 : i32
        %dma_start3A_365 = tpu.memref_slice %arg3[%dma_start3A_363, %dma_start3A_364] : memref<1000000x64xf32, #tpu.memory_space<hbm>> -> memref<1000000x64xf32, #tpu.memory_space<hbm>>
        tpu.enqueue_indirect_dma source(%dma_start3A_365 : memref<1000000x64xf32, #tpu.memory_space<hbm>>) target(%dma_start3A_359 : memref<100x64xf32, #tpu.memory_space<vmem>>) offsets(%dma_start3A_362 : memref<100xi32, #tpu.memory_space<vmem>>) semaphore(%arg20 : memref<!tpu.dma_semaphore, #tpu.memory_space<semaphore_mem>>)
        %dma_start3A_366 = arith.constant 2 : i32
        %dma_start3A_367 = arith.constant 200 : i32
        %dma_start3A_368 = arith.constant 0 : i32
        %dma_start3A_369 = tpu.memref_slice %arg16[%dma_start3A_367, %dma_start3A_368] : memref<400x64xf32, #tpu.memory_space<vmem>> -> memref<100x64xf32, #tpu.memory_space<vmem>>
        %dma_start3A_370 = arith.constant 0 : i32
        %dma_start3A_371 = tpu.memref_slice %arg12[%dma_start3A_366, %dma_start3A_370] : memref<4x100xi32, #tpu.memory_space<vmem>> -> memref<1x100xi32, #tpu.memory_space<vmem>>
        %dma_start3A_372 = tpu.memref_squeeze %dma_start3A_371 : memref<1x100xi32, #tpu.memory_space<vmem>> -> memref<100xi32, #tpu.memory_space<vmem>>
        %dma_start3A_373 = arith.constant 0 : i32
        %dma_start3A_374 = arith.constant 0 : i32
        %dma_start3A_375 = tpu.memref_slice %arg3[%dma_start3A_373, %dma_start3A_374] : memref<1000000x64xf32, #tpu.memory_space<hbm>> -> memref<1000000x64xf32, #tpu.memory_space<hbm>>
        tpu.enqueue_indirect_dma source(%dma_start3A_375 : memref<1000000x64xf32, #tpu.memory_space<hbm>>) target(%dma_start3A_369 : memref<100x64xf32, #tpu.memory_space<vmem>>) offsets(%dma_start3A_372 : memref<100xi32, #tpu.memory_space<vmem>>) semaphore(%arg20 : memref<!tpu.dma_semaphore, #tpu.memory_space<semaphore_mem>>)
        %dma_start3A_376 = arith.constant 3 : i32
        %dma_start3A_377 = arith.constant 300 : i32
        %dma_start3A_378 = arith.constant 0 : i32
        %dma_start3A_379 = tpu.memref_slice %arg16[%dma_start3A_377, %dma_start3A_378] : memref<400x64xf32, #tpu.memory_space<vmem>> -> memref<100x64xf32, #tpu.memory_space<vmem>>
        %dma_start3A_380 = arith.constant 0 : i32
        %dma_start3A_381 = tpu.memref_slice %arg12[%dma_start3A_376, %dma_start3A_380] : memref<4x100xi32, #tpu.memory_space<vmem>> -> memref<1x100xi32, #tpu.memory_space<vmem>>
        %dma_start3A_382 = tpu.memref_squeeze %dma_start3A_381 : memref<1x100xi32, #tpu.memory_space<vmem>> -> memref<100xi32, #tpu.memory_space<vmem>>
        %dma_start3A_383 = arith.constant 0 : i32
        %dma_start3A_384 = arith.constant 0 : i32
        %dma_start3A_385 = tpu.memref_slice %arg3[%dma_start3A_383, %dma_start3A_384] : memref<1000000x64xf32, #tpu.memory_space<hbm>> -> memref<1000000x64xf32, #tpu.memory_space<hbm>>
        tpu.enqueue_indirect_dma source(%dma_start3A_385 : memref<1000000x64xf32, #tpu.memory_space<hbm>>) target(%dma_start3A_379 : memref<100x64xf32, #tpu.memory_space<vmem>>) offsets(%dma_start3A_382 : memref<100xi32, #tpu.memory_space<vmem>>) semaphore(%arg20 : memref<!tpu.dma_semaphore, #tpu.memory_space<semaphore_mem>>)
      } else {
      }
      %mul3A_234 = arith.constant 4 : i32
      %mul3A_235 = arith.muli %scan3A_202, %mul3A_234 : i32
      %add3A_236 = arith.constant 1 : i32
      %add3A_237 = arith.addi %mul3A_235, %add3A_236 : i32
      %dma_wait3A_238 = arith.constant 0 : i32
      %dma_wait3A_239 = arith.constant 0 : i32
      %dma_wait3A_240 = tpu.memref_slice %arg6[%dma_wait3A_238, %dma_wait3A_239] : memref<819200x64xf32, #tpu.memory_space<hbm>> -> memref<400x64xf32, #tpu.memory_space<hbm>>
      %dma_wait3A_241 = arith.constant 0 : i32
      %dma_wait3A_242 = arith.constant 0 : i32
      %dma_wait3A_243 = tpu.memref_slice %arg6[%dma_wait3A_241, %dma_wait3A_242] : memref<819200x64xf32, #tpu.memory_space<hbm>> -> memref<400x64xf32, #tpu.memory_space<hbm>>
      tpu.wait_dma2 semaphore(%arg18 : memref<!tpu.dma_semaphore, #tpu.memory_space<semaphore_mem>>) src(%dma_wait3A_243 : memref<400x64xf32, #tpu.memory_space<hbm>>) dst(%arg14 : memref<400x64xf32, #tpu.memory_space<vmem>>)
      %scan3A_244 = arith.constant 0 : i32
      %scan3A_245 = arith.constant 0 : i32
      %scan3A_246 = arith.constant 200 : i32
      %scan3A_247 = arith.addi %scan3A_245, %scan3A_246 : i32
      %scan3A_248 = arith.constant 1 : i32
      scf.for %scan3A_339 = %scan3A_245 to %scan3A_247 step %scan3A_248  : i32 {
        %get3A = arith.index_cast %scan3A_339 : i32 to index
        %get3A_340 = arith.constant 0 : index
        %get3A_341 = tpu.vector_load %arg8[%get3A, %get3A_340] {strides = array<i32>} : memref<200x64xf32, #tpu.memory_space<vmem>>, vector<1x16xf32>,
        %get3A_342 = vector.shape_cast %get3A_341 : vector<1x16xf32> to vector<16xf32>
        %get3A_343 = arith.index_cast %scan3A_339 : i32 to index
        %get3A_344 = arith.constant 16 : index
        %get3A_345 = tpu.vector_load %arg8[%get3A_343, %get3A_344] {strides = array<i32>} : memref<200x64xf32, #tpu.memory_space<vmem>>, vector<1x16xf32>,
        %get3A_346 = vector.shape_cast %get3A_345 : vector<1x16xf32> to vector<16xf32>
        %get3A_347 = arith.index_cast %scan3A_339 : i32 to index
        %get3A_348 = arith.constant 32 : index
        %get3A_349 = tpu.vector_load %arg8[%get3A_347, %get3A_348] {strides = array<i32>} : memref<200x64xf32, #tpu.memory_space<vmem>>, vector<1x16xf32>,
        %get3A_350 = vector.shape_cast %get3A_349 : vector<1x16xf32> to vector<16xf32>
        %get3A_351 = arith.index_cast %scan3A_339 : i32 to index
        %get3A_352 = arith.constant 48 : index
        %get3A_353 = tpu.vector_load %arg8[%get3A_351, %get3A_352] {strides = array<i32>} : memref<200x64xf32, #tpu.memory_space<vmem>>, vector<1x16xf32>,
        %get3A_354 = vector.shape_cast %get3A_353 : vector<1x16xf32> to vector<16xf32>
        %add3A_355 = arith.constant 0 : i32
        %add3A_356 = arith.addi %add3A_355, %scan3A_339 : i32
        %get3A_357 = arith.index_cast %add3A_356 : i32 to index
        %get3A_358 = arith.constant 0 : index
        %get3A_359 = tpu.vector_load %arg14[%get3A_357, %get3A_358] {strides = array<i32>} : memref<400x64xf32, #tpu.memory_space<vmem>>, vector<1x16xf32>,
        %get3A_360 = vector.shape_cast %get3A_359 : vector<1x16xf32> to vector<16xf32>
        %add3A_361 = arith.addf %get3A_360, %get3A_342 : vector<16xf32>
        %swap3A = arith.index_cast %add3A_356 : i32 to index
        %swap3A_362 = arith.constant 0 : index
        %swap3A_363 = tpu.vector_load %arg14[%swap3A, %swap3A_362] {strides = array<i32>} : memref<400x64xf32, #tpu.memory_space<vmem>>, vector<1x16xf32>,
        %swap3A_364 = vector.shape_cast %swap3A_363 : vector<1x16xf32> to vector<16xf32>
        %swap3A_365 = vector.shape_cast %add3A_361 : vector<16xf32> to vector<1x16xf32>
        tpu.vector_store %arg14[%swap3A, %swap3A_362], %swap3A_365 {strides = array<i32>} : memref<400x64xf32, #tpu.memory_space<vmem>>, vector<1x16xf32>,
        %get3A_366 = arith.index_cast %add3A_356 : i32 to index
        %get3A_367 = arith.constant 16 : index
        %get3A_368 = tpu.vector_load %arg14[%get3A_366, %get3A_367] {strides = array<i32>} : memref<400x64xf32, #tpu.memory_space<vmem>>, vector<1x16xf32>,
        %get3A_369 = vector.shape_cast %get3A_368 : vector<1x16xf32> to vector<16xf32>
        %add3A_370 = arith.addf %get3A_369, %get3A_346 : vector<16xf32>
        %swap3A_371 = arith.index_cast %add3A_356 : i32 to index
        %swap3A_372 = arith.constant 16 : index
        %swap3A_373 = tpu.vector_load %arg14[%swap3A_371, %swap3A_372] {strides = array<i32>} : memref<400x64xf32, #tpu.memory_space<vmem>>, vector<1x16xf32>,
        %swap3A_374 = vector.shape_cast %swap3A_373 : vector<1x16xf32> to vector<16xf32>
        %swap3A_375 = vector.shape_cast %add3A_370 : vector<16xf32> to vector<1x16xf32>
        tpu.vector_store %arg14[%swap3A_371, %swap3A_372], %swap3A_375 {strides = array<i32>} : memref<400x64xf32, #tpu.memory_space<vmem>>, vector<1x16xf32>,
        %get3A_376 = arith.index_cast %add3A_356 : i32 to index
        %get3A_377 = arith.constant 32 : index
        %get3A_378 = tpu.vector_load %arg14[%get3A_376, %get3A_377] {strides = array<i32>} : memref<400x64xf32, #tpu.memory_space<vmem>>, vector<1x16xf32>,
        %get3A_379 = vector.shape_cast %get3A_378 : vector<1x16xf32> to vector<16xf32>
        %add3A_380 = arith.addf %get3A_379, %get3A_350 : vector<16xf32>
        %swap3A_381 = arith.index_cast %add3A_356 : i32 to index
        %swap3A_382 = arith.constant 32 : index
        %swap3A_383 = tpu.vector_load %arg14[%swap3A_381, %swap3A_382] {strides = array<i32>} : memref<400x64xf32, #tpu.memory_space<vmem>>, vector<1x16xf32>,
        %swap3A_384 = vector.shape_cast %swap3A_383 : vector<1x16xf32> to vector<16xf32>
        %swap3A_385 = vector.shape_cast %add3A_380 : vector<16xf32> to vector<1x16xf32>
        tpu.vector_store %arg14[%swap3A_381, %swap3A_382], %swap3A_385 {strides = array<i32>} : memref<400x64xf32, #tpu.memory_space<vmem>>, vector<1x16xf32>,
        %get3A_386 = arith.index_cast %add3A_356 : i32 to index
        %get3A_387 = arith.constant 48 : index
        %get3A_388 = tpu.vector_load %arg14[%get3A_386, %get3A_387] {strides = array<i32>} : memref<400x64xf32, #tpu.memory_space<vmem>>, vector<1x16xf32>,
        %get3A_389 = vector.shape_cast %get3A_388 : vector<1x16xf32> to vector<16xf32>
        %add3A_390 = arith.addf %get3A_389, %get3A_354 : vector<16xf32>
        %swap3A_391 = arith.index_cast %add3A_356 : i32 to index
        %swap3A_392 = arith.constant 48 : index
        %swap3A_393 = tpu.vector_load %arg14[%swap3A_391, %swap3A_392] {strides = array<i32>} : memref<400x64xf32, #tpu.memory_space<vmem>>, vector<1x16xf32>,
        %swap3A_394 = vector.shape_cast %swap3A_393 : vector<1x16xf32> to vector<16xf32>
        %swap3A_395 = vector.shape_cast %add3A_390 : vector<16xf32> to vector<1x16xf32>
        tpu.vector_store %arg14[%swap3A_391, %swap3A_392], %swap3A_395 {strides = array<i32>} : memref<400x64xf32, #tpu.memory_space<vmem>>, vector<1x16xf32>,
        %add3A_396 = arith.constant 200 : i32
        %add3A_397 = arith.addi %add3A_396, %scan3A_339 : i32
        %get3A_398 = arith.index_cast %add3A_397 : i32 to index
        %get3A_399 = arith.constant 0 : index
        %get3A_400 = tpu.vector_load %arg14[%get3A_398, %get3A_399] {strides = array<i32>} : memref<400x64xf32, #tpu.memory_space<vmem>>, vector<1x16xf32>,
        %get3A_401 = vector.shape_cast %get3A_400 : vector<1x16xf32> to vector<16xf32>
        %add3A_402 = arith.addf %get3A_401, %get3A_342 : vector<16xf32>
        %swap3A_403 = arith.index_cast %add3A_397 : i32 to index
        %swap3A_404 = arith.constant 0 : index
        %swap3A_405 = tpu.vector_load %arg14[%swap3A_403, %swap3A_404] {strides = array<i32>} : memref<400x64xf32, #tpu.memory_space<vmem>>, vector<1x16xf32>,
        %swap3A_406 = vector.shape_cast %swap3A_405 : vector<1x16xf32> to vector<16xf32>
        %swap3A_407 = vector.shape_cast %add3A_402 : vector<16xf32> to vector<1x16xf32>
        tpu.vector_store %arg14[%swap3A_403, %swap3A_404], %swap3A_407 {strides = array<i32>} : memref<400x64xf32, #tpu.memory_space<vmem>>, vector<1x16xf32>,
        %get3A_408 = arith.index_cast %add3A_397 : i32 to index
        %get3A_409 = arith.constant 16 : index
        %get3A_410 = tpu.vector_load %arg14[%get3A_408, %get3A_409] {strides = array<i32>} : memref<400x64xf32, #tpu.memory_space<vmem>>, vector<1x16xf32>,
        %get3A_411 = vector.shape_cast %get3A_410 : vector<1x16xf32> to vector<16xf32>
        %add3A_412 = arith.addf %get3A_411, %get3A_346 : vector<16xf32>
        %swap3A_413 = arith.index_cast %add3A_397 : i32 to index
        %swap3A_414 = arith.constant 16 : index
        %swap3A_415 = tpu.vector_load %arg14[%swap3A_413, %swap3A_414] {strides = array<i32>} : memref<400x64xf32, #tpu.memory_space<vmem>>, vector<1x16xf32>,
        %swap3A_416 = vector.shape_cast %swap3A_415 : vector<1x16xf32> to vector<16xf32>
        %swap3A_417 = vector.shape_cast %add3A_412 : vector<16xf32> to vector<1x16xf32>
        tpu.vector_store %arg14[%swap3A_413, %swap3A_414], %swap3A_417 {strides = array<i32>} : memref<400x64xf32, #tpu.memory_space<vmem>>, vector<1x16xf32>,
        %get3A_418 = arith.index_cast %add3A_397 : i32 to index
        %get3A_419 = arith.constant 32 : index
        %get3A_420 = tpu.vector_load %arg14[%get3A_418, %get3A_419] {strides = array<i32>} : memref<400x64xf32, #tpu.memory_space<vmem>>, vector<1x16xf32>,
        %get3A_421 = vector.shape_cast %get3A_420 : vector<1x16xf32> to vector<16xf32>
        %add3A_422 = arith.addf %get3A_421, %get3A_350 : vector<16xf32>
        %swap3A_423 = arith.index_cast %add3A_397 : i32 to index
        %swap3A_424 = arith.constant 32 : index
        %swap3A_425 = tpu.vector_load %arg14[%swap3A_423, %swap3A_424] {strides = array<i32>} : memref<400x64xf32, #tpu.memory_space<vmem>>, vector<1x16xf32>,
        %swap3A_426 = vector.shape_cast %swap3A_425 : vector<1x16xf32> to vector<16xf32>
        %swap3A_427 = vector.shape_cast %add3A_422 : vector<16xf32> to vector<1x16xf32>
        tpu.vector_store %arg14[%swap3A_423, %swap3A_424], %swap3A_427 {strides = array<i32>} : memref<400x64xf32, #tpu.memory_space<vmem>>, vector<1x16xf32>,
        %get3A_428 = arith.index_cast %add3A_397 : i32 to index
        %get3A_429 = arith.constant 48 : index
        %get3A_430 = tpu.vector_load %arg14[%get3A_428, %get3A_429] {strides = array<i32>} : memref<400x64xf32, #tpu.memory_space<vmem>>, vector<1x16xf32>,
        %get3A_431 = vector.shape_cast %get3A_430 : vector<1x16xf32> to vector<16xf32>
        %add3A_432 = arith.addf %get3A_431, %get3A_354 : vector<16xf32>
        %swap3A_433 = arith.index_cast %add3A_397 : i32 to index
        %swap3A_434 = arith.constant 48 : index
        %swap3A_435 = tpu.vector_load %arg14[%swap3A_433, %swap3A_434] {strides = array<i32>} : memref<400x64xf32, #tpu.memory_space<vmem>>, vector<1x16xf32>,
        %swap3A_436 = vector.shape_cast %swap3A_435 : vector<1x16xf32> to vector<16xf32>
        %swap3A_437 = vector.shape_cast %add3A_432 : vector<16xf32> to vector<1x16xf32>
        tpu.vector_store %arg14[%swap3A_433, %swap3A_434], %swap3A_437 {strides = array<i32>} : memref<400x64xf32, #tpu.memory_space<vmem>>, vector<1x16xf32>,
      }
      %scan3A_249 = arith.constant 200 : i32
      %mul3A_250 = arith.constant 400 : i32
      %mul3A_251 = arith.muli %add3A_237, %mul3A_250 : i32
      %add3A_252 = arith.addi %mul3A_2, %mul3A_251 : i32
      %dma_start3A_253 = arith.constant 0 : i32
      %dma_start3A_254 = tpu.memref_slice %arg6[%add3A_252, %dma_start3A_253] : memref<819200x64xf32, #tpu.memory_space<hbm>> -> memref<400x64xf32, #tpu.memory_space<hbm>>
      %dma_start3A_255 = arith.constant 0 : i32
      %dma_start3A_256 = tpu.memref_slice %arg6[%add3A_252, %dma_start3A_255] : memref<819200x64xf32, #tpu.memory_space<hbm>> -> memref<400x64xf32, #tpu.memory_space<hbm>>
      tpu.enqueue_dma source(%arg14 : memref<400x64xf32, #tpu.memory_space<vmem>>) target(%dma_start3A_256 : memref<400x64xf32, #tpu.memory_space<hbm>>) target_semaphore(%arg22 : memref<!tpu.dma_semaphore, #tpu.memory_space<semaphore_mem>>)
      %add3A_257 = arith.constant 4 : i32
      %add3A_258 = arith.addi %add3A_237, %add3A_257 : i32
      %sub3A_259 = arith.constant 1 : i32
      %sub3A_260 = arith.subi %add3A_258, %sub3A_259 : i32
      %ge3A_261 = arith.constant 1 : i32
      %ge3A_262 = arith.cmpi sge, %add3A_237, %ge3A_261 : i32
      %lt3A_263 = arith.constant 64 : i32
      %lt3A_264 = arith.cmpi slt, %sub3A_260, %lt3A_263 : i32
      %and3A_265 = arith.andi %ge3A_262, %lt3A_264 : i1
      %convert_element_type3A_266 = arith.extui %and3A_265 : i1 to i32
      %cond3A_267 = arith.constant 0 : i32
      %cond3A_268 = arith.cmpi ne, %convert_element_type3A_266, %cond3A_267 : i32
      scf.if %cond3A_268 {
        %dma_wait3A_339 = arith.constant 0 : i32
        %dma_wait3A_340 = arith.constant 0 : i32
        %dma_wait3A_341 = tpu.memref_slice %arg6[%dma_wait3A_339, %dma_wait3A_340] : memref<819200x64xf32, #tpu.memory_space<hbm>> -> memref<400x64xf32, #tpu.memory_space<hbm>>
        %dma_wait3A_342 = arith.constant 0 : i32
        %dma_wait3A_343 = arith.constant 0 : i32
        %dma_wait3A_344 = tpu.memref_slice %arg6[%dma_wait3A_342, %dma_wait3A_343] : memref<819200x64xf32, #tpu.memory_space<hbm>> -> memref<400x64xf32, #tpu.memory_space<hbm>>
        tpu.wait_dma2 semaphore(%arg21 : memref<!tpu.dma_semaphore, #tpu.memory_space<semaphore_mem>>) src(%arg13 : memref<400x64xf32, #tpu.memory_space<vmem>>) dst(%dma_wait3A_344 : memref<400x64xf32, #tpu.memory_space<hbm>>)
        %add3A_345 = arith.addi %mul3A_4, %sub3A_260 : i32
        "tpu.region"() ({
          %run_scoped3A = tpu.sem_alloc : memref<!tpu.dma_semaphore, #tpu.memory_space<semaphore_mem>>
          %dma_start3A_386 = arith.constant 0 : i32
          %dma_start3A_387 = arith.constant 0 : i32
          %dma_start3A_388 = tpu.memref_slice %arg2[%add3A_345, %dma_start3A_386, %dma_start3A_387] : memref<2048x4x100xi32, #tpu.memory_space<hbm>> -> memref<1x4x100xi32, #tpu.memory_space<hbm>>
          %dma_start3A_389 = tpu.memref_squeeze %dma_start3A_388 : memref<1x4x100xi32, #tpu.memory_space<hbm>> -> memref<4x100xi32, #tpu.memory_space<hbm>>
          %dma_start3A_390 = arith.constant 0 : i32
          %dma_start3A_391 = arith.constant 0 : i32
          %dma_start3A_392 = tpu.memref_slice %arg2[%add3A_345, %dma_start3A_390, %dma_start3A_391] : memref<2048x4x100xi32, #tpu.memory_space<hbm>> -> memref<1x4x100xi32, #tpu.memory_space<hbm>>
          %dma_start3A_393 = tpu.memref_squeeze %dma_start3A_392 : memref<1x4x100xi32, #tpu.memory_space<hbm>> -> memref<4x100xi32, #tpu.memory_space<hbm>>
          tpu.enqueue_dma source(%dma_start3A_393 : memref<4x100xi32, #tpu.memory_space<hbm>>) target(%arg9 : memref<4x100xi32, #tpu.memory_space<vmem>>) target_semaphore(%run_scoped3A : memref<!tpu.dma_semaphore, #tpu.memory_space<semaphore_mem>>)
          %dma_wait3A_394 = arith.constant 0 : i32
          %dma_wait3A_395 = arith.constant 0 : i32
          %dma_wait3A_396 = tpu.memref_slice %arg2[%add3A_345, %dma_wait3A_394, %dma_wait3A_395] : memref<2048x4x100xi32, #tpu.memory_space<hbm>> -> memref<1x4x100xi32, #tpu.memory_space<hbm>>
          %dma_wait3A_397 = tpu.memref_squeeze %dma_wait3A_396 : memref<1x4x100xi32, #tpu.memory_space<hbm>> -> memref<4x100xi32, #tpu.memory_space<hbm>>
          %dma_wait3A_398 = arith.constant 0 : i32
          %dma_wait3A_399 = arith.constant 0 : i32
          %dma_wait3A_400 = tpu.memref_slice %arg2[%add3A_345, %dma_wait3A_398, %dma_wait3A_399] : memref<2048x4x100xi32, #tpu.memory_space<hbm>> -> memref<1x4x100xi32, #tpu.memory_space<hbm>>
          %dma_wait3A_401 = tpu.memref_squeeze %dma_wait3A_400 : memref<1x4x100xi32, #tpu.memory_space<hbm>> -> memref<4x100xi32, #tpu.memory_space<hbm>>
          tpu.wait_dma2 semaphore(%run_scoped3A : memref<!tpu.dma_semaphore, #tpu.memory_space<semaphore_mem>>) src(%dma_wait3A_401 : memref<4x100xi32, #tpu.memory_space<hbm>>) dst(%arg9 : memref<4x100xi32, #tpu.memory_space<vmem>>)
          tpu.yield
        }) : () -> ()
        %dma_start3A_346 = arith.constant 0 : i32
        %dma_start3A_347 = arith.constant 0 : i32
        %dma_start3A_348 = arith.constant 0 : i32
        %dma_start3A_349 = tpu.memref_slice %arg13[%dma_start3A_347, %dma_start3A_348] : memref<400x64xf32, #tpu.memory_space<vmem>> -> memref<100x64xf32, #tpu.memory_space<vmem>>
        %dma_start3A_350 = arith.constant 0 : i32
        %dma_start3A_351 = tpu.memref_slice %arg9[%dma_start3A_346, %dma_start3A_350] : memref<4x100xi32, #tpu.memory_space<vmem>> -> memref<1x100xi32, #tpu.memory_space<vmem>>
        %dma_start3A_352 = tpu.memref_squeeze %dma_start3A_351 : memref<1x100xi32, #tpu.memory_space<vmem>> -> memref<100xi32, #tpu.memory_space<vmem>>
        %dma_start3A_353 = arith.constant 0 : i32
        %dma_start3A_354 = arith.constant 0 : i32
        %dma_start3A_355 = tpu.memref_slice %arg3[%dma_start3A_353, %dma_start3A_354] : memref<1000000x64xf32, #tpu.memory_space<hbm>> -> memref<1000000x64xf32, #tpu.memory_space<hbm>>
        tpu.enqueue_indirect_dma source(%dma_start3A_355 : memref<1000000x64xf32, #tpu.memory_space<hbm>>) target(%dma_start3A_349 : memref<100x64xf32, #tpu.memory_space<vmem>>) offsets(%dma_start3A_352 : memref<100xi32, #tpu.memory_space<vmem>>) semaphore(%arg17 : memref<!tpu.dma_semaphore, #tpu.memory_space<semaphore_mem>>)
        %dma_start3A_356 = arith.constant 1 : i32
        %dma_start3A_357 = arith.constant 100 : i32
        %dma_start3A_358 = arith.constant 0 : i32
        %dma_start3A_359 = tpu.memref_slice %arg13[%dma_start3A_357, %dma_start3A_358] : memref<400x64xf32, #tpu.memory_space<vmem>> -> memref<100x64xf32, #tpu.memory_space<vmem>>
        %dma_start3A_360 = arith.constant 0 : i32
        %dma_start3A_361 = tpu.memref_slice %arg9[%dma_start3A_356, %dma_start3A_360] : memref<4x100xi32, #tpu.memory_space<vmem>> -> memref<1x100xi32, #tpu.memory_space<vmem>>
        %dma_start3A_362 = tpu.memref_squeeze %dma_start3A_361 : memref<1x100xi32, #tpu.memory_space<vmem>> -> memref<100xi32, #tpu.memory_space<vmem>>
        %dma_start3A_363 = arith.constant 0 : i32
        %dma_start3A_364 = arith.constant 0 : i32
        %dma_start3A_365 = tpu.memref_slice %arg3[%dma_start3A_363, %dma_start3A_364] : memref<1000000x64xf32, #tpu.memory_space<hbm>> -> memref<1000000x64xf32, #tpu.memory_space<hbm>>
        tpu.enqueue_indirect_dma source(%dma_start3A_365 : memref<1000000x64xf32, #tpu.memory_space<hbm>>) target(%dma_start3A_359 : memref<100x64xf32, #tpu.memory_space<vmem>>) offsets(%dma_start3A_362 : memref<100xi32, #tpu.memory_space<vmem>>) semaphore(%arg17 : memref<!tpu.dma_semaphore, #tpu.memory_space<semaphore_mem>>)
        %dma_start3A_366 = arith.constant 2 : i32
        %dma_start3A_367 = arith.constant 200 : i32
        %dma_start3A_368 = arith.constant 0 : i32
        %dma_start3A_369 = tpu.memref_slice %arg13[%dma_start3A_367, %dma_start3A_368] : memref<400x64xf32, #tpu.memory_space<vmem>> -> memref<100x64xf32, #tpu.memory_space<vmem>>
        %dma_start3A_370 = arith.constant 0 : i32
        %dma_start3A_371 = tpu.memref_slice %arg9[%dma_start3A_366, %dma_start3A_370] : memref<4x100xi32, #tpu.memory_space<vmem>> -> memref<1x100xi32, #tpu.memory_space<vmem>>
        %dma_start3A_372 = tpu.memref_squeeze %dma_start3A_371 : memref<1x100xi32, #tpu.memory_space<vmem>> -> memref<100xi32, #tpu.memory_space<vmem>>
        %dma_start3A_373 = arith.constant 0 : i32
        %dma_start3A_374 = arith.constant 0 : i32
        %dma_start3A_375 = tpu.memref_slice %arg3[%dma_start3A_373, %dma_start3A_374] : memref<1000000x64xf32, #tpu.memory_space<hbm>> -> memref<1000000x64xf32, #tpu.memory_space<hbm>>
        tpu.enqueue_indirect_dma source(%dma_start3A_375 : memref<1000000x64xf32, #tpu.memory_space<hbm>>) target(%dma_start3A_369 : memref<100x64xf32, #tpu.memory_space<vmem>>) offsets(%dma_start3A_372 : memref<100xi32, #tpu.memory_space<vmem>>) semaphore(%arg17 : memref<!tpu.dma_semaphore, #tpu.memory_space<semaphore_mem>>)
        %dma_start3A_376 = arith.constant 3 : i32
        %dma_start3A_377 = arith.constant 300 : i32
        %dma_start3A_378 = arith.constant 0 : i32
        %dma_start3A_379 = tpu.memref_slice %arg13[%dma_start3A_377, %dma_start3A_378] : memref<400x64xf32, #tpu.memory_space<vmem>> -> memref<100x64xf32, #tpu.memory_space<vmem>>
        %dma_start3A_380 = arith.constant 0 : i32
        %dma_start3A_381 = tpu.memref_slice %arg9[%dma_start3A_376, %dma_start3A_380] : memref<4x100xi32, #tpu.memory_space<vmem>> -> memref<1x100xi32, #tpu.memory_space<vmem>>
        %dma_start3A_382 = tpu.memref_squeeze %dma_start3A_381 : memref<1x100xi32, #tpu.memory_space<vmem>> -> memref<100xi32, #tpu.memory_space<vmem>>
        %dma_start3A_383 = arith.constant 0 : i32
        %dma_start3A_384 = arith.constant 0 : i32
        %dma_start3A_385 = tpu.memref_slice %arg3[%dma_start3A_383, %dma_start3A_384] : memref<1000000x64xf32, #tpu.memory_space<hbm>> -> memref<1000000x64xf32, #tpu.memory_space<hbm>>
        tpu.enqueue_indirect_dma source(%dma_start3A_385 : memref<1000000x64xf32, #tpu.memory_space<hbm>>) target(%dma_start3A_379 : memref<100x64xf32, #tpu.memory_space<vmem>>) offsets(%dma_start3A_382 : memref<100xi32, #tpu.memory_space<vmem>>) semaphore(%arg17 : memref<!tpu.dma_semaphore, #tpu.memory_space<semaphore_mem>>)
      } else {
      }
      %mul3A_269 = arith.constant 4 : i32
      %mul3A_270 = arith.muli %scan3A_202, %mul3A_269 : i32
      %add3A_271 = arith.constant 2 : i32
      %add3A_272 = arith.addi %mul3A_270, %add3A_271 : i32
      %dma_wait3A_273 = arith.constant 0 : i32
      %dma_wait3A_274 = arith.constant 0 : i32
      %dma_wait3A_275 = tpu.memref_slice %arg6[%dma_wait3A_273, %dma_wait3A_274] : memref<819200x64xf32, #tpu.memory_space<hbm>> -> memref<400x64xf32, #tpu.memory_space<hbm>>
      %dma_wait3A_276 = arith.constant 0 : i32
      %dma_wait3A_277 = arith.constant 0 : i32
      %dma_wait3A_278 = tpu.memref_slice %arg6[%dma_wait3A_276, %dma_wait3A_277] : memref<819200x64xf32, #tpu.memory_space<hbm>> -> memref<400x64xf32, #tpu.memory_space<hbm>>
      tpu.wait_dma2 semaphore(%arg19 : memref<!tpu.dma_semaphore, #tpu.memory_space<semaphore_mem>>) src(%dma_wait3A_278 : memref<400x64xf32, #tpu.memory_space<hbm>>) dst(%arg15 : memref<400x64xf32, #tpu.memory_space<vmem>>)
      %scan3A_279 = arith.constant 0 : i32
      %scan3A_280 = arith.constant 0 : i32
      %scan3A_281 = arith.constant 200 : i32
      %scan3A_282 = arith.addi %scan3A_280, %scan3A_281 : i32
      %scan3A_283 = arith.constant 1 : i32
      scf.for %scan3A_339 = %scan3A_280 to %scan3A_282 step %scan3A_283  : i32 {
        %get3A = arith.index_cast %scan3A_339 : i32 to index
        %get3A_340 = arith.constant 0 : index
        %get3A_341 = tpu.vector_load %arg8[%get3A, %get3A_340] {strides = array<i32>} : memref<200x64xf32, #tpu.memory_space<vmem>>, vector<1x16xf32>,
        %get3A_342 = vector.shape_cast %get3A_341 : vector<1x16xf32> to vector<16xf32>
        %get3A_343 = arith.index_cast %scan3A_339 : i32 to index
        %get3A_344 = arith.constant 16 : index
        %get3A_345 = tpu.vector_load %arg8[%get3A_343, %get3A_344] {strides = array<i32>} : memref<200x64xf32, #tpu.memory_space<vmem>>, vector<1x16xf32>,
        %get3A_346 = vector.shape_cast %get3A_345 : vector<1x16xf32> to vector<16xf32>
        %get3A_347 = arith.index_cast %scan3A_339 : i32 to index
        %get3A_348 = arith.constant 32 : index
        %get3A_349 = tpu.vector_load %arg8[%get3A_347, %get3A_348] {strides = array<i32>} : memref<200x64xf32, #tpu.memory_space<vmem>>, vector<1x16xf32>,
        %get3A_350 = vector.shape_cast %get3A_349 : vector<1x16xf32> to vector<16xf32>
        %get3A_351 = arith.index_cast %scan3A_339 : i32 to index
        %get3A_352 = arith.constant 48 : index
        %get3A_353 = tpu.vector_load %arg8[%get3A_351, %get3A_352] {strides = array<i32>} : memref<200x64xf32, #tpu.memory_space<vmem>>, vector<1x16xf32>,
        %get3A_354 = vector.shape_cast %get3A_353 : vector<1x16xf32> to vector<16xf32>
        %add3A_355 = arith.constant 0 : i32
        %add3A_356 = arith.addi %add3A_355, %scan3A_339 : i32
        %get3A_357 = arith.index_cast %add3A_356 : i32 to index
        %get3A_358 = arith.constant 0 : index
        %get3A_359 = tpu.vector_load %arg15[%get3A_357, %get3A_358] {strides = array<i32>} : memref<400x64xf32, #tpu.memory_space<vmem>>, vector<1x16xf32>,
        %get3A_360 = vector.shape_cast %get3A_359 : vector<1x16xf32> to vector<16xf32>
        %add3A_361 = arith.addf %get3A_360, %get3A_342 : vector<16xf32>
        %swap3A = arith.index_cast %add3A_356 : i32 to index
        %swap3A_362 = arith.constant 0 : index
        %swap3A_363 = tpu.vector_load %arg15[%swap3A, %swap3A_362] {strides = array<i32>} : memref<400x64xf32, #tpu.memory_space<vmem>>, vector<1x16xf32>,
        %swap3A_364 = vector.shape_cast %swap3A_363 : vector<1x16xf32> to vector<16xf32>
        %swap3A_365 = vector.shape_cast %add3A_361 : vector<16xf32> to vector<1x16xf32>
        tpu.vector_store %arg15[%swap3A, %swap3A_362], %swap3A_365 {strides = array<i32>} : memref<400x64xf32, #tpu.memory_space<vmem>>, vector<1x16xf32>,
        %get3A_366 = arith.index_cast %add3A_356 : i32 to index
        %get3A_367 = arith.constant 16 : index
        %get3A_368 = tpu.vector_load %arg15[%get3A_366, %get3A_367] {strides = array<i32>} : memref<400x64xf32, #tpu.memory_space<vmem>>, vector<1x16xf32>,
        %get3A_369 = vector.shape_cast %get3A_368 : vector<1x16xf32> to vector<16xf32>
        %add3A_370 = arith.addf %get3A_369, %get3A_346 : vector<16xf32>
        %swap3A_371 = arith.index_cast %add3A_356 : i32 to index
        %swap3A_372 = arith.constant 16 : index
        %swap3A_373 = tpu.vector_load %arg15[%swap3A_371, %swap3A_372] {strides = array<i32>} : memref<400x64xf32, #tpu.memory_space<vmem>>, vector<1x16xf32>,
        %swap3A_374 = vector.shape_cast %swap3A_373 : vector<1x16xf32> to vector<16xf32>
        %swap3A_375 = vector.shape_cast %add3A_370 : vector<16xf32> to vector<1x16xf32>
        tpu.vector_store %arg15[%swap3A_371, %swap3A_372], %swap3A_375 {strides = array<i32>} : memref<400x64xf32, #tpu.memory_space<vmem>>, vector<1x16xf32>,
        %get3A_376 = arith.index_cast %add3A_356 : i32 to index
        %get3A_377 = arith.constant 32 : index
        %get3A_378 = tpu.vector_load %arg15[%get3A_376, %get3A_377] {strides = array<i32>} : memref<400x64xf32, #tpu.memory_space<vmem>>, vector<1x16xf32>,
        %get3A_379 = vector.shape_cast %get3A_378 : vector<1x16xf32> to vector<16xf32>
        %add3A_380 = arith.addf %get3A_379, %get3A_350 : vector<16xf32>
        %swap3A_381 = arith.index_cast %add3A_356 : i32 to index
        %swap3A_382 = arith.constant 32 : index
        %swap3A_383 = tpu.vector_load %arg15[%swap3A_381, %swap3A_382] {strides = array<i32>} : memref<400x64xf32, #tpu.memory_space<vmem>>, vector<1x16xf32>,
        %swap3A_384 = vector.shape_cast %swap3A_383 : vector<1x16xf32> to vector<16xf32>
        %swap3A_385 = vector.shape_cast %add3A_380 : vector<16xf32> to vector<1x16xf32>
        tpu.vector_store %arg15[%swap3A_381, %swap3A_382], %swap3A_385 {strides = array<i32>} : memref<400x64xf32, #tpu.memory_space<vmem>>, vector<1x16xf32>,
        %get3A_386 = arith.index_cast %add3A_356 : i32 to index
        %get3A_387 = arith.constant 48 : index
        %get3A_388 = tpu.vector_load %arg15[%get3A_386, %get3A_387] {strides = array<i32>} : memref<400x64xf32, #tpu.memory_space<vmem>>, vector<1x16xf32>,
        %get3A_389 = vector.shape_cast %get3A_388 : vector<1x16xf32> to vector<16xf32>
        %add3A_390 = arith.addf %get3A_389, %get3A_354 : vector<16xf32>
        %swap3A_391 = arith.index_cast %add3A_356 : i32 to index
        %swap3A_392 = arith.constant 48 : index
        %swap3A_393 = tpu.vector_load %arg15[%swap3A_391, %swap3A_392] {strides = array<i32>} : memref<400x64xf32, #tpu.memory_space<vmem>>, vector<1x16xf32>,
        %swap3A_394 = vector.shape_cast %swap3A_393 : vector<1x16xf32> to vector<16xf32>
        %swap3A_395 = vector.shape_cast %add3A_390 : vector<16xf32> to vector<1x16xf32>
        tpu.vector_store %arg15[%swap3A_391, %swap3A_392], %swap3A_395 {strides = array<i32>} : memref<400x64xf32, #tpu.memory_space<vmem>>, vector<1x16xf32>,
        %add3A_396 = arith.constant 200 : i32
        %add3A_397 = arith.addi %add3A_396, %scan3A_339 : i32
        %get3A_398 = arith.index_cast %add3A_397 : i32 to index
        %get3A_399 = arith.constant 0 : index
        %get3A_400 = tpu.vector_load %arg15[%get3A_398, %get3A_399] {strides = array<i32>} : memref<400x64xf32, #tpu.memory_space<vmem>>, vector<1x16xf32>,
        %get3A_401 = vector.shape_cast %get3A_400 : vector<1x16xf32> to vector<16xf32>
        %add3A_402 = arith.addf %get3A_401, %get3A_342 : vector<16xf32>
        %swap3A_403 = arith.index_cast %add3A_397 : i32 to index
        %swap3A_404 = arith.constant 0 : index
        %swap3A_405 = tpu.vector_load %arg15[%swap3A_403, %swap3A_404] {strides = array<i32>} : memref<400x64xf32, #tpu.memory_space<vmem>>, vector<1x16xf32>,
        %swap3A_406 = vector.shape_cast %swap3A_405 : vector<1x16xf32> to vector<16xf32>
        %swap3A_407 = vector.shape_cast %add3A_402 : vector<16xf32> to vector<1x16xf32>
        tpu.vector_store %arg15[%swap3A_403, %swap3A_404], %swap3A_407 {strides = array<i32>} : memref<400x64xf32, #tpu.memory_space<vmem>>, vector<1x16xf32>,
        %get3A_408 = arith.index_cast %add3A_397 : i32 to index
        %get3A_409 = arith.constant 16 : index
        %get3A_410 = tpu.vector_load %arg15[%get3A_408, %get3A_409] {strides = array<i32>} : memref<400x64xf32, #tpu.memory_space<vmem>>, vector<1x16xf32>,
        %get3A_411 = vector.shape_cast %get3A_410 : vector<1x16xf32> to vector<16xf32>
        %add3A_412 = arith.addf %get3A_411, %get3A_346 : vector<16xf32>
        %swap3A_413 = arith.index_cast %add3A_397 : i32 to index
        %swap3A_414 = arith.constant 16 : index
        %swap3A_415 = tpu.vector_load %arg15[%swap3A_413, %swap3A_414] {strides = array<i32>} : memref<400x64xf32, #tpu.memory_space<vmem>>, vector<1x16xf32>,
        %swap3A_416 = vector.shape_cast %swap3A_415 : vector<1x16xf32> to vector<16xf32>
        %swap3A_417 = vector.shape_cast %add3A_412 : vector<16xf32> to vector<1x16xf32>
        tpu.vector_store %arg15[%swap3A_413, %swap3A_414], %swap3A_417 {strides = array<i32>} : memref<400x64xf32, #tpu.memory_space<vmem>>, vector<1x16xf32>,
        %get3A_418 = arith.index_cast %add3A_397 : i32 to index
        %get3A_419 = arith.constant 32 : index
        %get3A_420 = tpu.vector_load %arg15[%get3A_418, %get3A_419] {strides = array<i32>} : memref<400x64xf32, #tpu.memory_space<vmem>>, vector<1x16xf32>,
        %get3A_421 = vector.shape_cast %get3A_420 : vector<1x16xf32> to vector<16xf32>
        %add3A_422 = arith.addf %get3A_421, %get3A_350 : vector<16xf32>
        %swap3A_423 = arith.index_cast %add3A_397 : i32 to index
        %swap3A_424 = arith.constant 32 : index
        %swap3A_425 = tpu.vector_load %arg15[%swap3A_423, %swap3A_424] {strides = array<i32>} : memref<400x64xf32, #tpu.memory_space<vmem>>, vector<1x16xf32>,
        %swap3A_426 = vector.shape_cast %swap3A_425 : vector<1x16xf32> to vector<16xf32>
        %swap3A_427 = vector.shape_cast %add3A_422 : vector<16xf32> to vector<1x16xf32>
        tpu.vector_store %arg15[%swap3A_423, %swap3A_424], %swap3A_427 {strides = array<i32>} : memref<400x64xf32, #tpu.memory_space<vmem>>, vector<1x16xf32>,
        %get3A_428 = arith.index_cast %add3A_397 : i32 to index
        %get3A_429 = arith.constant 48 : index
        %get3A_430 = tpu.vector_load %arg15[%get3A_428, %get3A_429] {strides = array<i32>} : memref<400x64xf32, #tpu.memory_space<vmem>>, vector<1x16xf32>,
        %get3A_431 = vector.shape_cast %get3A_430 : vector<1x16xf32> to vector<16xf32>
        %add3A_432 = arith.addf %get3A_431, %get3A_354 : vector<16xf32>
        %swap3A_433 = arith.index_cast %add3A_397 : i32 to index
        %swap3A_434 = arith.constant 48 : index
        %swap3A_435 = tpu.vector_load %arg15[%swap3A_433, %swap3A_434] {strides = array<i32>} : memref<400x64xf32, #tpu.memory_space<vmem>>, vector<1x16xf32>,
        %swap3A_436 = vector.shape_cast %swap3A_435 : vector<1x16xf32> to vector<16xf32>
        %swap3A_437 = vector.shape_cast %add3A_432 : vector<16xf32> to vector<1x16xf32>
        tpu.vector_store %arg15[%swap3A_433, %swap3A_434], %swap3A_437 {strides = array<i32>} : memref<400x64xf32, #tpu.memory_space<vmem>>, vector<1x16xf32>,
      }
      %scan3A_284 = arith.constant 200 : i32
      %mul3A_285 = arith.constant 400 : i32
      %mul3A_286 = arith.muli %add3A_272, %mul3A_285 : i32
      %add3A_287 = arith.addi %mul3A_2, %mul3A_286 : i32
      %dma_start3A_288 = arith.constant 0 : i32
      %dma_start3A_289 = tpu.memref_slice %arg6[%add3A_287, %dma_start3A_288] : memref<819200x64xf32, #tpu.memory_space<hbm>> -> memref<400x64xf32, #tpu.memory_space<hbm>>
      %dma_start3A_290 = arith.constant 0 : i32
      %dma_start3A_291 = tpu.memref_slice %arg6[%add3A_287, %dma_start3A_290] : memref<819200x64xf32, #tpu.memory_space<hbm>> -> memref<400x64xf32, #tpu.memory_space<hbm>>
      tpu.enqueue_dma source(%arg15 : memref<400x64xf32, #tpu.memory_space<vmem>>) target(%dma_start3A_291 : memref<400x64xf32, #tpu.memory_space<hbm>>) target_semaphore(%arg23 : memref<!tpu.dma_semaphore, #tpu.memory_space<semaphore_mem>>)
      %add3A_292 = arith.constant 4 : i32
      %add3A_293 = arith.addi %add3A_272, %add3A_292 : i32
      %sub3A_294 = arith.constant 1 : i32
      %sub3A_295 = arith.subi %add3A_293, %sub3A_294 : i32
      %ge3A_296 = arith.constant 1 : i32
      %ge3A_297 = arith.cmpi sge, %add3A_272, %ge3A_296 : i32
      %lt3A_298 = arith.constant 64 : i32
      %lt3A_299 = arith.cmpi slt, %sub3A_295, %lt3A_298 : i32
      %and3A_300 = arith.andi %ge3A_297, %lt3A_299 : i1
      %convert_element_type3A_301 = arith.extui %and3A_300 : i1 to i32
      %cond3A_302 = arith.constant 0 : i32
      %cond3A_303 = arith.cmpi ne, %convert_element_type3A_301, %cond3A_302 : i32
      scf.if %cond3A_303 {
        %dma_wait3A_339 = arith.constant 0 : i32
        %dma_wait3A_340 = arith.constant 0 : i32
        %dma_wait3A_341 = tpu.memref_slice %arg6[%dma_wait3A_339, %dma_wait3A_340] : memref<819200x64xf32, #tpu.memory_space<hbm>> -> memref<400x64xf32, #tpu.memory_space<hbm>>
        %dma_wait3A_342 = arith.constant 0 : i32
        %dma_wait3A_343 = arith.constant 0 : i32
        %dma_wait3A_344 = tpu.memref_slice %arg6[%dma_wait3A_342, %dma_wait3A_343] : memref<819200x64xf32, #tpu.memory_space<hbm>> -> memref<400x64xf32, #tpu.memory_space<hbm>>
        tpu.wait_dma2 semaphore(%arg22 : memref<!tpu.dma_semaphore, #tpu.memory_space<semaphore_mem>>) src(%arg14 : memref<400x64xf32, #tpu.memory_space<vmem>>) dst(%dma_wait3A_344 : memref<400x64xf32, #tpu.memory_space<hbm>>)
        %add3A_345 = arith.addi %mul3A_4, %sub3A_295 : i32
        "tpu.region"() ({
          %run_scoped3A = tpu.sem_alloc : memref<!tpu.dma_semaphore, #tpu.memory_space<semaphore_mem>>
          %dma_start3A_386 = arith.constant 0 : i32
          %dma_start3A_387 = arith.constant 0 : i32
          %dma_start3A_388 = tpu.memref_slice %arg2[%add3A_345, %dma_start3A_386, %dma_start3A_387] : memref<2048x4x100xi32, #tpu.memory_space<hbm>> -> memref<1x4x100xi32, #tpu.memory_space<hbm>>
          %dma_start3A_389 = tpu.memref_squeeze %dma_start3A_388 : memref<1x4x100xi32, #tpu.memory_space<hbm>> -> memref<4x100xi32, #tpu.memory_space<hbm>>
          %dma_start3A_390 = arith.constant 0 : i32
          %dma_start3A_391 = arith.constant 0 : i32
          %dma_start3A_392 = tpu.memref_slice %arg2[%add3A_345, %dma_start3A_390, %dma_start3A_391] : memref<2048x4x100xi32, #tpu.memory_space<hbm>> -> memref<1x4x100xi32, #tpu.memory_space<hbm>>
          %dma_start3A_393 = tpu.memref_squeeze %dma_start3A_392 : memref<1x4x100xi32, #tpu.memory_space<hbm>> -> memref<4x100xi32, #tpu.memory_space<hbm>>
          tpu.enqueue_dma source(%dma_start3A_393 : memref<4x100xi32, #tpu.memory_space<hbm>>) target(%arg10 : memref<4x100xi32, #tpu.memory_space<vmem>>) target_semaphore(%run_scoped3A : memref<!tpu.dma_semaphore, #tpu.memory_space<semaphore_mem>>)
          %dma_wait3A_394 = arith.constant 0 : i32
          %dma_wait3A_395 = arith.constant 0 : i32
          %dma_wait3A_396 = tpu.memref_slice %arg2[%add3A_345, %dma_wait3A_394, %dma_wait3A_395] : memref<2048x4x100xi32, #tpu.memory_space<hbm>> -> memref<1x4x100xi32, #tpu.memory_space<hbm>>
          %dma_wait3A_397 = tpu.memref_squeeze %dma_wait3A_396 : memref<1x4x100xi32, #tpu.memory_space<hbm>> -> memref<4x100xi32, #tpu.memory_space<hbm>>
          %dma_wait3A_398 = arith.constant 0 : i32
          %dma_wait3A_399 = arith.constant 0 : i32
          %dma_wait3A_400 = tpu.memref_slice %arg2[%add3A_345, %dma_wait3A_398, %dma_wait3A_399] : memref<2048x4x100xi32, #tpu.memory_space<hbm>> -> memref<1x4x100xi32, #tpu.memory_space<hbm>>
          %dma_wait3A_401 = tpu.memref_squeeze %dma_wait3A_400 : memref<1x4x100xi32, #tpu.memory_space<hbm>> -> memref<4x100xi32, #tpu.memory_space<hbm>>
          tpu.wait_dma2 semaphore(%run_scoped3A : memref<!tpu.dma_semaphore, #tpu.memory_space<semaphore_mem>>) src(%dma_wait3A_401 : memref<4x100xi32, #tpu.memory_space<hbm>>) dst(%arg10 : memref<4x100xi32, #tpu.memory_space<vmem>>)
          tpu.yield
        }) : () -> ()
        %dma_start3A_346 = arith.constant 0 : i32
        %dma_start3A_347 = arith.constant 0 : i32
        %dma_start3A_348 = arith.constant 0 : i32
        %dma_start3A_349 = tpu.memref_slice %arg14[%dma_start3A_347, %dma_start3A_348] : memref<400x64xf32, #tpu.memory_space<vmem>> -> memref<100x64xf32, #tpu.memory_space<vmem>>
        %dma_start3A_350 = arith.constant 0 : i32
        %dma_start3A_351 = tpu.memref_slice %arg10[%dma_start3A_346, %dma_start3A_350] : memref<4x100xi32, #tpu.memory_space<vmem>> -> memref<1x100xi32, #tpu.memory_space<vmem>>
        %dma_start3A_352 = tpu.memref_squeeze %dma_start3A_351 : memref<1x100xi32, #tpu.memory_space<vmem>> -> memref<100xi32, #tpu.memory_space<vmem>>
        %dma_start3A_353 = arith.constant 0 : i32
        %dma_start3A_354 = arith.constant 0 : i32
        %dma_start3A_355 = tpu.memref_slice %arg3[%dma_start3A_353, %dma_start3A_354] : memref<1000000x64xf32, #tpu.memory_space<hbm>> -> memref<1000000x64xf32, #tpu.memory_space<hbm>>
        tpu.enqueue_indirect_dma source(%dma_start3A_355 : memref<1000000x64xf32, #tpu.memory_space<hbm>>) target(%dma_start3A_349 : memref<100x64xf32, #tpu.memory_space<vmem>>) offsets(%dma_start3A_352 : memref<100xi32, #tpu.memory_space<vmem>>) semaphore(%arg18 : memref<!tpu.dma_semaphore, #tpu.memory_space<semaphore_mem>>)
        %dma_start3A_356 = arith.constant 1 : i32
        %dma_start3A_357 = arith.constant 100 : i32
        %dma_start3A_358 = arith.constant 0 : i32
        %dma_start3A_359 = tpu.memref_slice %arg14[%dma_start3A_357, %dma_start3A_358] : memref<400x64xf32, #tpu.memory_space<vmem>> -> memref<100x64xf32, #tpu.memory_space<vmem>>
        %dma_start3A_360 = arith.constant 0 : i32
        %dma_start3A_361 = tpu.memref_slice %arg10[%dma_start3A_356, %dma_start3A_360] : memref<4x100xi32, #tpu.memory_space<vmem>> -> memref<1x100xi32, #tpu.memory_space<vmem>>
        %dma_start3A_362 = tpu.memref_squeeze %dma_start3A_361 : memref<1x100xi32, #tpu.memory_space<vmem>> -> memref<100xi32, #tpu.memory_space<vmem>>
        %dma_start3A_363 = arith.constant 0 : i32
        %dma_start3A_364 = arith.constant 0 : i32
        %dma_start3A_365 = tpu.memref_slice %arg3[%dma_start3A_363, %dma_start3A_364] : memref<1000000x64xf32, #tpu.memory_space<hbm>> -> memref<1000000x64xf32, #tpu.memory_space<hbm>>
        tpu.enqueue_indirect_dma source(%dma_start3A_365 : memref<1000000x64xf32, #tpu.memory_space<hbm>>) target(%dma_start3A_359 : memref<100x64xf32, #tpu.memory_space<vmem>>) offsets(%dma_start3A_362 : memref<100xi32, #tpu.memory_space<vmem>>) semaphore(%arg18 : memref<!tpu.dma_semaphore, #tpu.memory_space<semaphore_mem>>)
        %dma_start3A_366 = arith.constant 2 : i32
        %dma_start3A_367 = arith.constant 200 : i32
        %dma_start3A_368 = arith.constant 0 : i32
        %dma_start3A_369 = tpu.memref_slice %arg14[%dma_start3A_367, %dma_start3A_368] : memref<400x64xf32, #tpu.memory_space<vmem>> -> memref<100x64xf32, #tpu.memory_space<vmem>>
        %dma_start3A_370 = arith.constant 0 : i32
        %dma_start3A_371 = tpu.memref_slice %arg10[%dma_start3A_366, %dma_start3A_370] : memref<4x100xi32, #tpu.memory_space<vmem>> -> memref<1x100xi32, #tpu.memory_space<vmem>>
        %dma_start3A_372 = tpu.memref_squeeze %dma_start3A_371 : memref<1x100xi32, #tpu.memory_space<vmem>> -> memref<100xi32, #tpu.memory_space<vmem>>
        %dma_start3A_373 = arith.constant 0 : i32
        %dma_start3A_374 = arith.constant 0 : i32
        %dma_start3A_375 = tpu.memref_slice %arg3[%dma_start3A_373, %dma_start3A_374] : memref<1000000x64xf32, #tpu.memory_space<hbm>> -> memref<1000000x64xf32, #tpu.memory_space<hbm>>
        tpu.enqueue_indirect_dma source(%dma_start3A_375 : memref<1000000x64xf32, #tpu.memory_space<hbm>>) target(%dma_start3A_369 : memref<100x64xf32, #tpu.memory_space<vmem>>) offsets(%dma_start3A_372 : memref<100xi32, #tpu.memory_space<vmem>>) semaphore(%arg18 : memref<!tpu.dma_semaphore, #tpu.memory_space<semaphore_mem>>)
        %dma_start3A_376 = arith.constant 3 : i32
        %dma_start3A_377 = arith.constant 300 : i32
        %dma_start3A_378 = arith.constant 0 : i32
        %dma_start3A_379 = tpu.memref_slice %arg14[%dma_start3A_377, %dma_start3A_378] : memref<400x64xf32, #tpu.memory_space<vmem>> -> memref<100x64xf32, #tpu.memory_space<vmem>>
        %dma_start3A_380 = arith.constant 0 : i32
        %dma_start3A_381 = tpu.memref_slice %arg10[%dma_start3A_376, %dma_start3A_380] : memref<4x100xi32, #tpu.memory_space<vmem>> -> memref<1x100xi32, #tpu.memory_space<vmem>>
        %dma_start3A_382 = tpu.memref_squeeze %dma_start3A_381 : memref<1x100xi32, #tpu.memory_space<vmem>> -> memref<100xi32, #tpu.memory_space<vmem>>
        %dma_start3A_383 = arith.constant 0 : i32
        %dma_start3A_384 = arith.constant 0 : i32
        %dma_start3A_385 = tpu.memref_slice %arg3[%dma_start3A_383, %dma_start3A_384] : memref<1000000x64xf32, #tpu.memory_space<hbm>> -> memref<1000000x64xf32, #tpu.memory_space<hbm>>
        tpu.enqueue_indirect_dma source(%dma_start3A_385 : memref<1000000x64xf32, #tpu.memory_space<hbm>>) target(%dma_start3A_379 : memref<100x64xf32, #tpu.memory_space<vmem>>) offsets(%dma_start3A_382 : memref<100xi32, #tpu.memory_space<vmem>>) semaphore(%arg18 : memref<!tpu.dma_semaphore, #tpu.memory_space<semaphore_mem>>)
      } else {
      }
      %mul3A_304 = arith.constant 4 : i32
      %mul3A_305 = arith.muli %scan3A_202, %mul3A_304 : i32
      %add3A_306 = arith.constant 3 : i32
      %add3A_307 = arith.addi %mul3A_305, %add3A_306 : i32
      %dma_wait3A_308 = arith.constant 0 : i32
      %dma_wait3A_309 = arith.constant 0 : i32
      %dma_wait3A_310 = tpu.memref_slice %arg6[%dma_wait3A_308, %dma_wait3A_309] : memref<819200x64xf32, #tpu.memory_space<hbm>> -> memref<400x64xf32, #tpu.memory_space<hbm>>
      %dma_wait3A_311 = arith.constant 0 : i32
      %dma_wait3A_312 = arith.constant 0 : i32
      %dma_wait3A_313 = tpu.memref_slice %arg6[%dma_wait3A_311, %dma_wait3A_312] : memref<819200x64xf32, #tpu.memory_space<hbm>> -> memref<400x64xf32, #tpu.memory_space<hbm>>
      tpu.wait_dma2 semaphore(%arg20 : memref<!tpu.dma_semaphore, #tpu.memory_space<semaphore_mem>>) src(%dma_wait3A_313 : memref<400x64xf32, #tpu.memory_space<hbm>>) dst(%arg16 : memref<400x64xf32, #tpu.memory_space<vmem>>)
      %scan3A_314 = arith.constant 0 : i32
      %scan3A_315 = arith.constant 0 : i32
      %scan3A_316 = arith.constant 200 : i32
      %scan3A_317 = arith.addi %scan3A_315, %scan3A_316 : i32
      %scan3A_318 = arith.constant 1 : i32
      scf.for %scan3A_339 = %scan3A_315 to %scan3A_317 step %scan3A_318  : i32 {
        %get3A = arith.index_cast %scan3A_339 : i32 to index
        %get3A_340 = arith.constant 0 : index
        %get3A_341 = tpu.vector_load %arg8[%get3A, %get3A_340] {strides = array<i32>} : memref<200x64xf32, #tpu.memory_space<vmem>>, vector<1x16xf32>,
        %get3A_342 = vector.shape_cast %get3A_341 : vector<1x16xf32> to vector<16xf32>
        %get3A_343 = arith.index_cast %scan3A_339 : i32 to index
        %get3A_344 = arith.constant 16 : index
        %get3A_345 = tpu.vector_load %arg8[%get3A_343, %get3A_344] {strides = array<i32>} : memref<200x64xf32, #tpu.memory_space<vmem>>, vector<1x16xf32>,
        %get3A_346 = vector.shape_cast %get3A_345 : vector<1x16xf32> to vector<16xf32>
        %get3A_347 = arith.index_cast %scan3A_339 : i32 to index
        %get3A_348 = arith.constant 32 : index
        %get3A_349 = tpu.vector_load %arg8[%get3A_347, %get3A_348] {strides = array<i32>} : memref<200x64xf32, #tpu.memory_space<vmem>>, vector<1x16xf32>,
        %get3A_350 = vector.shape_cast %get3A_349 : vector<1x16xf32> to vector<16xf32>
        %get3A_351 = arith.index_cast %scan3A_339 : i32 to index
        %get3A_352 = arith.constant 48 : index
        %get3A_353 = tpu.vector_load %arg8[%get3A_351, %get3A_352] {strides = array<i32>} : memref<200x64xf32, #tpu.memory_space<vmem>>, vector<1x16xf32>,
        %get3A_354 = vector.shape_cast %get3A_353 : vector<1x16xf32> to vector<16xf32>
        %add3A_355 = arith.constant 0 : i32
        %add3A_356 = arith.addi %add3A_355, %scan3A_339 : i32
        %get3A_357 = arith.index_cast %add3A_356 : i32 to index
        %get3A_358 = arith.constant 0 : index
        %get3A_359 = tpu.vector_load %arg16[%get3A_357, %get3A_358] {strides = array<i32>} : memref<400x64xf32, #tpu.memory_space<vmem>>, vector<1x16xf32>,
        %get3A_360 = vector.shape_cast %get3A_359 : vector<1x16xf32> to vector<16xf32>
        %add3A_361 = arith.addf %get3A_360, %get3A_342 : vector<16xf32>
        %swap3A = arith.index_cast %add3A_356 : i32 to index
        %swap3A_362 = arith.constant 0 : index
        %swap3A_363 = tpu.vector_load %arg16[%swap3A, %swap3A_362] {strides = array<i32>} : memref<400x64xf32, #tpu.memory_space<vmem>>, vector<1x16xf32>,
        %swap3A_364 = vector.shape_cast %swap3A_363 : vector<1x16xf32> to vector<16xf32>
        %swap3A_365 = vector.shape_cast %add3A_361 : vector<16xf32> to vector<1x16xf32>
        tpu.vector_store %arg16[%swap3A, %swap3A_362], %swap3A_365 {strides = array<i32>} : memref<400x64xf32, #tpu.memory_space<vmem>>, vector<1x16xf32>,
        %get3A_366 = arith.index_cast %add3A_356 : i32 to index
        %get3A_367 = arith.constant 16 : index
        %get3A_368 = tpu.vector_load %arg16[%get3A_366, %get3A_367] {strides = array<i32>} : memref<400x64xf32, #tpu.memory_space<vmem>>, vector<1x16xf32>,
        %get3A_369 = vector.shape_cast %get3A_368 : vector<1x16xf32> to vector<16xf32>
        %add3A_370 = arith.addf %get3A_369, %get3A_346 : vector<16xf32>
        %swap3A_371 = arith.index_cast %add3A_356 : i32 to index
        %swap3A_372 = arith.constant 16 : index
        %swap3A_373 = tpu.vector_load %arg16[%swap3A_371, %swap3A_372] {strides = array<i32>} : memref<400x64xf32, #tpu.memory_space<vmem>>, vector<1x16xf32>,
        %swap3A_374 = vector.shape_cast %swap3A_373 : vector<1x16xf32> to vector<16xf32>
        %swap3A_375 = vector.shape_cast %add3A_370 : vector<16xf32> to vector<1x16xf32>
        tpu.vector_store %arg16[%swap3A_371, %swap3A_372], %swap3A_375 {strides = array<i32>} : memref<400x64xf32, #tpu.memory_space<vmem>>, vector<1x16xf32>,
        %get3A_376 = arith.index_cast %add3A_356 : i32 to index
        %get3A_377 = arith.constant 32 : index
        %get3A_378 = tpu.vector_load %arg16[%get3A_376, %get3A_377] {strides = array<i32>} : memref<400x64xf32, #tpu.memory_space<vmem>>, vector<1x16xf32>,
        %get3A_379 = vector.shape_cast %get3A_378 : vector<1x16xf32> to vector<16xf32>
        %add3A_380 = arith.addf %get3A_379, %get3A_350 : vector<16xf32>
        %swap3A_381 = arith.index_cast %add3A_356 : i32 to index
        %swap3A_382 = arith.constant 32 : index
        %swap3A_383 = tpu.vector_load %arg16[%swap3A_381, %swap3A_382] {strides = array<i32>} : memref<400x64xf32, #tpu.memory_space<vmem>>, vector<1x16xf32>,
        %swap3A_384 = vector.shape_cast %swap3A_383 : vector<1x16xf32> to vector<16xf32>
        %swap3A_385 = vector.shape_cast %add3A_380 : vector<16xf32> to vector<1x16xf32>
        tpu.vector_store %arg16[%swap3A_381, %swap3A_382], %swap3A_385 {strides = array<i32>} : memref<400x64xf32, #tpu.memory_space<vmem>>, vector<1x16xf32>,
        %get3A_386 = arith.index_cast %add3A_356 : i32 to index
        %get3A_387 = arith.constant 48 : index
        %get3A_388 = tpu.vector_load %arg16[%get3A_386, %get3A_387] {strides = array<i32>} : memref<400x64xf32, #tpu.memory_space<vmem>>, vector<1x16xf32>,
        %get3A_389 = vector.shape_cast %get3A_388 : vector<1x16xf32> to vector<16xf32>
        %add3A_390 = arith.addf %get3A_389, %get3A_354 : vector<16xf32>
        %swap3A_391 = arith.index_cast %add3A_356 : i32 to index
        %swap3A_392 = arith.constant 48 : index
        %swap3A_393 = tpu.vector_load %arg16[%swap3A_391, %swap3A_392] {strides = array<i32>} : memref<400x64xf32, #tpu.memory_space<vmem>>, vector<1x16xf32>,
        %swap3A_394 = vector.shape_cast %swap3A_393 : vector<1x16xf32> to vector<16xf32>
        %swap3A_395 = vector.shape_cast %add3A_390 : vector<16xf32> to vector<1x16xf32>
        tpu.vector_store %arg16[%swap3A_391, %swap3A_392], %swap3A_395 {strides = array<i32>} : memref<400x64xf32, #tpu.memory_space<vmem>>, vector<1x16xf32>,
        %add3A_396 = arith.constant 200 : i32
        %add3A_397 = arith.addi %add3A_396, %scan3A_339 : i32
        %get3A_398 = arith.index_cast %add3A_397 : i32 to index
        %get3A_399 = arith.constant 0 : index
        %get3A_400 = tpu.vector_load %arg16[%get3A_398, %get3A_399] {strides = array<i32>} : memref<400x64xf32, #tpu.memory_space<vmem>>, vector<1x16xf32>,
        %get3A_401 = vector.shape_cast %get3A_400 : vector<1x16xf32> to vector<16xf32>
        %add3A_402 = arith.addf %get3A_401, %get3A_342 : vector<16xf32>
        %swap3A_403 = arith.index_cast %add3A_397 : i32 to index
        %swap3A_404 = arith.constant 0 : index
        %swap3A_405 = tpu.vector_load %arg16[%swap3A_403, %swap3A_404] {strides = array<i32>} : memref<400x64xf32, #tpu.memory_space<vmem>>, vector<1x16xf32>,
        %swap3A_406 = vector.shape_cast %swap3A_405 : vector<1x16xf32> to vector<16xf32>
        %swap3A_407 = vector.shape_cast %add3A_402 : vector<16xf32> to vector<1x16xf32>
        tpu.vector_store %arg16[%swap3A_403, %swap3A_404], %swap3A_407 {strides = array<i32>} : memref<400x64xf32, #tpu.memory_space<vmem>>, vector<1x16xf32>,
        %get3A_408 = arith.index_cast %add3A_397 : i32 to index
        %get3A_409 = arith.constant 16 : index
        %get3A_410 = tpu.vector_load %arg16[%get3A_408, %get3A_409] {strides = array<i32>} : memref<400x64xf32, #tpu.memory_space<vmem>>, vector<1x16xf32>,
        %get3A_411 = vector.shape_cast %get3A_410 : vector<1x16xf32> to vector<16xf32>
        %add3A_412 = arith.addf %get3A_411, %get3A_346 : vector<16xf32>
        %swap3A_413 = arith.index_cast %add3A_397 : i32 to index
        %swap3A_414 = arith.constant 16 : index
        %swap3A_415 = tpu.vector_load %arg16[%swap3A_413, %swap3A_414] {strides = array<i32>} : memref<400x64xf32, #tpu.memory_space<vmem>>, vector<1x16xf32>,
        %swap3A_416 = vector.shape_cast %swap3A_415 : vector<1x16xf32> to vector<16xf32>
        %swap3A_417 = vector.shape_cast %add3A_412 : vector<16xf32> to vector<1x16xf32>
        tpu.vector_store %arg16[%swap3A_413, %swap3A_414], %swap3A_417 {strides = array<i32>} : memref<400x64xf32, #tpu.memory_space<vmem>>, vector<1x16xf32>,
        %get3A_418 = arith.index_cast %add3A_397 : i32 to index
        %get3A_419 = arith.constant 32 : index
        %get3A_420 = tpu.vector_load %arg16[%get3A_418, %get3A_419] {strides = array<i32>} : memref<400x64xf32, #tpu.memory_space<vmem>>, vector<1x16xf32>,
        %get3A_421 = vector.shape_cast %get3A_420 : vector<1x16xf32> to vector<16xf32>
        %add3A_422 = arith.addf %get3A_421, %get3A_350 : vector<16xf32>
        %swap3A_423 = arith.index_cast %add3A_397 : i32 to index
        %swap3A_424 = arith.constant 32 : index
        %swap3A_425 = tpu.vector_load %arg16[%swap3A_423, %swap3A_424] {strides = array<i32>} : memref<400x64xf32, #tpu.memory_space<vmem>>, vector<1x16xf32>,
        %swap3A_426 = vector.shape_cast %swap3A_425 : vector<1x16xf32> to vector<16xf32>
        %swap3A_427 = vector.shape_cast %add3A_422 : vector<16xf32> to vector<1x16xf32>
        tpu.vector_store %arg16[%swap3A_423, %swap3A_424], %swap3A_427 {strides = array<i32>} : memref<400x64xf32, #tpu.memory_space<vmem>>, vector<1x16xf32>,
        %get3A_428 = arith.index_cast %add3A_397 : i32 to index
        %get3A_429 = arith.constant 48 : index
        %get3A_430 = tpu.vector_load %arg16[%get3A_428, %get3A_429] {strides = array<i32>} : memref<400x64xf32, #tpu.memory_space<vmem>>, vector<1x16xf32>,
        %get3A_431 = vector.shape_cast %get3A_430 : vector<1x16xf32> to vector<16xf32>
        %add3A_432 = arith.addf %get3A_431, %get3A_354 : vector<16xf32>
        %swap3A_433 = arith.index_cast %add3A_397 : i32 to index
        %swap3A_434 = arith.constant 48 : index
        %swap3A_435 = tpu.vector_load %arg16[%swap3A_433, %swap3A_434] {strides = array<i32>} : memref<400x64xf32, #tpu.memory_space<vmem>>, vector<1x16xf32>,
        %swap3A_436 = vector.shape_cast %swap3A_435 : vector<1x16xf32> to vector<16xf32>
        %swap3A_437 = vector.shape_cast %add3A_432 : vector<16xf32> to vector<1x16xf32>
        tpu.vector_store %arg16[%swap3A_433, %swap3A_434], %swap3A_437 {strides = array<i32>} : memref<400x64xf32, #tpu.memory_space<vmem>>, vector<1x16xf32>,
      }
      %scan3A_319 = arith.constant 200 : i32
      %mul3A_320 = arith.constant 400 : i32
      %mul3A_321 = arith.muli %add3A_307, %mul3A_320 : i32
      %add3A_322 = arith.addi %mul3A_2, %mul3A_321 : i32
      %dma_start3A_323 = arith.constant 0 : i32
      %dma_start3A_324 = tpu.memref_slice %arg6[%add3A_322, %dma_start3A_323] : memref<819200x64xf32, #tpu.memory_space<hbm>> -> memref<400x64xf32, #tpu.memory_space<hbm>>
      %dma_start3A_325 = arith.constant 0 : i32
      %dma_start3A_326 = tpu.memref_slice %arg6[%add3A_322, %dma_start3A_325] : memref<819200x64xf32, #tpu.memory_space<hbm>> -> memref<400x64xf32, #tpu.memory_space<hbm>>
      tpu.enqueue_dma source(%arg16 : memref<400x64xf32, #tpu.memory_space<vmem>>) target(%dma_start3A_326 : memref<400x64xf32, #tpu.memory_space<hbm>>) target_semaphore(%arg24 : memref<!tpu.dma_semaphore, #tpu.memory_space<semaphore_mem>>)
      %add3A_327 = arith.constant 4 : i32
      %add3A_328 = arith.addi %add3A_307, %add3A_327 : i32
      %sub3A_329 = arith.constant 1 : i32
      %sub3A_330 = arith.subi %add3A_328, %sub3A_329 : i32
      %ge3A_331 = arith.constant 1 : i32
      %ge3A_332 = arith.cmpi sge, %add3A_307, %ge3A_331 : i32
      %lt3A_333 = arith.constant 64 : i32
      %lt3A_334 = arith.cmpi slt, %sub3A_330, %lt3A_333 : i32
      %and3A_335 = arith.andi %ge3A_332, %lt3A_334 : i1
      %convert_element_type3A_336 = arith.extui %and3A_335 : i1 to i32
      %cond3A_337 = arith.constant 0 : i32
      %cond3A_338 = arith.cmpi ne, %convert_element_type3A_336, %cond3A_337 : i32
      scf.if %cond3A_338 {
        %dma_wait3A_339 = arith.constant 0 : i32
        %dma_wait3A_340 = arith.constant 0 : i32
        %dma_wait3A_341 = tpu.memref_slice %arg6[%dma_wait3A_339, %dma_wait3A_340] : memref<819200x64xf32, #tpu.memory_space<hbm>> -> memref<400x64xf32, #tpu.memory_space<hbm>>
        %dma_wait3A_342 = arith.constant 0 : i32
        %dma_wait3A_343 = arith.constant 0 : i32
        %dma_wait3A_344 = tpu.memref_slice %arg6[%dma_wait3A_342, %dma_wait3A_343] : memref<819200x64xf32, #tpu.memory_space<hbm>> -> memref<400x64xf32, #tpu.memory_space<hbm>>
        tpu.wait_dma2 semaphore(%arg23 : memref<!tpu.dma_semaphore, #tpu.memory_space<semaphore_mem>>) src(%arg15 : memref<400x64xf32, #tpu.memory_space<vmem>>) dst(%dma_wait3A_344 : memref<400x64xf32, #tpu.memory_space<hbm>>)
        %add3A_345 = arith.addi %mul3A_4, %sub3A_330 : i32
        "tpu.region"() ({
          %run_scoped3A = tpu.sem_alloc : memref<!tpu.dma_semaphore, #tpu.memory_space<semaphore_mem>>
          %dma_start3A_386 = arith.constant 0 : i32
          %dma_start3A_387 = arith.constant 0 : i32
          %dma_start3A_388 = tpu.memref_slice %arg2[%add3A_345, %dma_start3A_386, %dma_start3A_387] : memref<2048x4x100xi32, #tpu.memory_space<hbm>> -> memref<1x4x100xi32, #tpu.memory_space<hbm>>
          %dma_start3A_389 = tpu.memref_squeeze %dma_start3A_388 : memref<1x4x100xi32, #tpu.memory_space<hbm>> -> memref<4x100xi32, #tpu.memory_space<hbm>>
          %dma_start3A_390 = arith.constant 0 : i32
          %dma_start3A_391 = arith.constant 0 : i32
          %dma_start3A_392 = tpu.memref_slice %arg2[%add3A_345, %dma_start3A_390, %dma_start3A_391] : memref<2048x4x100xi32, #tpu.memory_space<hbm>> -> memref<1x4x100xi32, #tpu.memory_space<hbm>>
          %dma_start3A_393 = tpu.memref_squeeze %dma_start3A_392 : memref<1x4x100xi32, #tpu.memory_space<hbm>> -> memref<4x100xi32, #tpu.memory_space<hbm>>
          tpu.enqueue_dma source(%dma_start3A_393 : memref<4x100xi32, #tpu.memory_space<hbm>>) target(%arg11 : memref<4x100xi32, #tpu.memory_space<vmem>>) target_semaphore(%run_scoped3A : memref<!tpu.dma_semaphore, #tpu.memory_space<semaphore_mem>>)
          %dma_wait3A_394 = arith.constant 0 : i32
          %dma_wait3A_395 = arith.constant 0 : i32
          %dma_wait3A_396 = tpu.memref_slice %arg2[%add3A_345, %dma_wait3A_394, %dma_wait3A_395] : memref<2048x4x100xi32, #tpu.memory_space<hbm>> -> memref<1x4x100xi32, #tpu.memory_space<hbm>>
          %dma_wait3A_397 = tpu.memref_squeeze %dma_wait3A_396 : memref<1x4x100xi32, #tpu.memory_space<hbm>> -> memref<4x100xi32, #tpu.memory_space<hbm>>
          %dma_wait3A_398 = arith.constant 0 : i32
          %dma_wait3A_399 = arith.constant 0 : i32
          %dma_wait3A_400 = tpu.memref_slice %arg2[%add3A_345, %dma_wait3A_398, %dma_wait3A_399] : memref<2048x4x100xi32, #tpu.memory_space<hbm>> -> memref<1x4x100xi32, #tpu.memory_space<hbm>>
          %dma_wait3A_401 = tpu.memref_squeeze %dma_wait3A_400 : memref<1x4x100xi32, #tpu.memory_space<hbm>> -> memref<4x100xi32, #tpu.memory_space<hbm>>
          tpu.wait_dma2 semaphore(%run_scoped3A : memref<!tpu.dma_semaphore, #tpu.memory_space<semaphore_mem>>) src(%dma_wait3A_401 : memref<4x100xi32, #tpu.memory_space<hbm>>) dst(%arg11 : memref<4x100xi32, #tpu.memory_space<vmem>>)
          tpu.yield
        }) : () -> ()
        %dma_start3A_346 = arith.constant 0 : i32
        %dma_start3A_347 = arith.constant 0 : i32
        %dma_start3A_348 = arith.constant 0 : i32
        %dma_start3A_349 = tpu.memref_slice %arg15[%dma_start3A_347, %dma_start3A_348] : memref<400x64xf32, #tpu.memory_space<vmem>> -> memref<100x64xf32, #tpu.memory_space<vmem>>
        %dma_start3A_350 = arith.constant 0 : i32
        %dma_start3A_351 = tpu.memref_slice %arg11[%dma_start3A_346, %dma_start3A_350] : memref<4x100xi32, #tpu.memory_space<vmem>> -> memref<1x100xi32, #tpu.memory_space<vmem>>
        %dma_start3A_352 = tpu.memref_squeeze %dma_start3A_351 : memref<1x100xi32, #tpu.memory_space<vmem>> -> memref<100xi32, #tpu.memory_space<vmem>>
        %dma_start3A_353 = arith.constant 0 : i32
        %dma_start3A_354 = arith.constant 0 : i32
        %dma_start3A_355 = tpu.memref_slice %arg3[%dma_start3A_353, %dma_start3A_354] : memref<1000000x64xf32, #tpu.memory_space<hbm>> -> memref<1000000x64xf32, #tpu.memory_space<hbm>>
        tpu.enqueue_indirect_dma source(%dma_start3A_355 : memref<1000000x64xf32, #tpu.memory_space<hbm>>) target(%dma_start3A_349 : memref<100x64xf32, #tpu.memory_space<vmem>>) offsets(%dma_start3A_352 : memref<100xi32, #tpu.memory_space<vmem>>) semaphore(%arg19 : memref<!tpu.dma_semaphore, #tpu.memory_space<semaphore_mem>>)
        %dma_start3A_356 = arith.constant 1 : i32
        %dma_start3A_357 = arith.constant 100 : i32
        %dma_start3A_358 = arith.constant 0 : i32
        %dma_start3A_359 = tpu.memref_slice %arg15[%dma_start3A_357, %dma_start3A_358] : memref<400x64xf32, #tpu.memory_space<vmem>> -> memref<100x64xf32, #tpu.memory_space<vmem>>
        %dma_start3A_360 = arith.constant 0 : i32
        %dma_start3A_361 = tpu.memref_slice %arg11[%dma_start3A_356, %dma_start3A_360] : memref<4x100xi32, #tpu.memory_space<vmem>> -> memref<1x100xi32, #tpu.memory_space<vmem>>
        %dma_start3A_362 = tpu.memref_squeeze %dma_start3A_361 : memref<1x100xi32, #tpu.memory_space<vmem>> -> memref<100xi32, #tpu.memory_space<vmem>>
        %dma_start3A_363 = arith.constant 0 : i32
        %dma_start3A_364 = arith.constant 0 : i32
        %dma_start3A_365 = tpu.memref_slice %arg3[%dma_start3A_363, %dma_start3A_364] : memref<1000000x64xf32, #tpu.memory_space<hbm>> -> memref<1000000x64xf32, #tpu.memory_space<hbm>>
        tpu.enqueue_indirect_dma source(%dma_start3A_365 : memref<1000000x64xf32, #tpu.memory_space<hbm>>) target(%dma_start3A_359 : memref<100x64xf32, #tpu.memory_space<vmem>>) offsets(%dma_start3A_362 : memref<100xi32, #tpu.memory_space<vmem>>) semaphore(%arg19 : memref<!tpu.dma_semaphore, #tpu.memory_space<semaphore_mem>>)
        %dma_start3A_366 = arith.constant 2 : i32
        %dma_start3A_367 = arith.constant 200 : i32
        %dma_start3A_368 = arith.constant 0 : i32
        %dma_start3A_369 = tpu.memref_slice %arg15[%dma_start3A_367, %dma_start3A_368] : memref<400x64xf32, #tpu.memory_space<vmem>> -> memref<100x64xf32, #tpu.memory_space<vmem>>
        %dma_start3A_370 = arith.constant 0 : i32
        %dma_start3A_371 = tpu.memref_slice %arg11[%dma_start3A_366, %dma_start3A_370] : memref<4x100xi32, #tpu.memory_space<vmem>> -> memref<1x100xi32, #tpu.memory_space<vmem>>
        %dma_start3A_372 = tpu.memref_squeeze %dma_start3A_371 : memref<1x100xi32, #tpu.memory_space<vmem>> -> memref<100xi32, #tpu.memory_space<vmem>>
        %dma_start3A_373 = arith.constant 0 : i32
        %dma_start3A_374 = arith.constant 0 : i32
        %dma_start3A_375 = tpu.memref_slice %arg3[%dma_start3A_373, %dma_start3A_374] : memref<1000000x64xf32, #tpu.memory_space<hbm>> -> memref<1000000x64xf32, #tpu.memory_space<hbm>>
        tpu.enqueue_indirect_dma source(%dma_start3A_375 : memref<1000000x64xf32, #tpu.memory_space<hbm>>) target(%dma_start3A_369 : memref<100x64xf32, #tpu.memory_space<vmem>>) offsets(%dma_start3A_372 : memref<100xi32, #tpu.memory_space<vmem>>) semaphore(%arg19 : memref<!tpu.dma_semaphore, #tpu.memory_space<semaphore_mem>>)
        %dma_start3A_376 = arith.constant 3 : i32
        %dma_start3A_377 = arith.constant 300 : i32
        %dma_start3A_378 = arith.constant 0 : i32
        %dma_start3A_379 = tpu.memref_slice %arg15[%dma_start3A_377, %dma_start3A_378] : memref<400x64xf32, #tpu.memory_space<vmem>> -> memref<100x64xf32, #tpu.memory_space<vmem>>
        %dma_start3A_380 = arith.constant 0 : i32
        %dma_start3A_381 = tpu.memref_slice %arg11[%dma_start3A_376, %dma_start3A_380] : memref<4x100xi32, #tpu.memory_space<vmem>> -> memref<1x100xi32, #tpu.memory_space<vmem>>
        %dma_start3A_382 = tpu.memref_squeeze %dma_start3A_381 : memref<1x100xi32, #tpu.memory_space<vmem>> -> memref<100xi32, #tpu.memory_space<vmem>>
        %dma_start3A_383 = arith.constant 0 : i32
        %dma_start3A_384 = arith.constant 0 : i32
        %dma_start3A_385 = tpu.memref_slice %arg3[%dma_start3A_383, %dma_start3A_384] : memref<1000000x64xf32, #tpu.memory_space<hbm>> -> memref<1000000x64xf32, #tpu.memory_space<hbm>>
        tpu.enqueue_indirect_dma source(%dma_start3A_385 : memref<1000000x64xf32, #tpu.memory_space<hbm>>) target(%dma_start3A_379 : memref<100x64xf32, #tpu.memory_space<vmem>>) offsets(%dma_start3A_382 : memref<100xi32, #tpu.memory_space<vmem>>) semaphore(%arg19 : memref<!tpu.dma_semaphore, #tpu.memory_space<semaphore_mem>>)
      } else {
      }
    }
    %scan3A_178 = arith.constant 16 : i32
    %dma_wait3A = arith.constant 0 : i32
    %dma_wait3A_179 = arith.constant 0 : i32
    %dma_wait3A_180 = tpu.memref_slice %arg6[%dma_wait3A, %dma_wait3A_179] : memref<819200x64xf32, #tpu.memory_space<hbm>> -> memref<400x64xf32, #tpu.memory_space<hbm>>
    %dma_wait3A_181 = arith.constant 0 : i32
    %dma_wait3A_182 = arith.constant 0 : i32
    %dma_wait3A_183 = tpu.memref_slice %arg6[%dma_wait3A_181, %dma_wait3A_182] : memref<819200x64xf32, #tpu.memory_space<hbm>> -> memref<400x64xf32, #tpu.memory_space<hbm>>
    tpu.wait_dma2 semaphore(%arg21 : memref<!tpu.dma_semaphore, #tpu.memory_space<semaphore_mem>>) src(%arg13 : memref<400x64xf32, #tpu.memory_space<vmem>>) dst(%dma_wait3A_183 : memref<400x64xf32, #tpu.memory_space<hbm>>)
    %dma_wait3A_184 = arith.constant 0 : i32
    %dma_wait3A_185 = arith.constant 0 : i32
    %dma_wait3A_186 = tpu.memref_slice %arg6[%dma_wait3A_184, %dma_wait3A_185] : memref<819200x64xf32, #tpu.memory_space<hbm>> -> memref<400x64xf32, #tpu.memory_space<hbm>>
    %dma_wait3A_187 = arith.constant 0 : i32
    %dma_wait3A_188 = arith.constant 0 : i32
    %dma_wait3A_189 = tpu.memref_slice %arg6[%dma_wait3A_187, %dma_wait3A_188] : memref<819200x64xf32, #tpu.memory_space<hbm>> -> memref<400x64xf32, #tpu.memory_space<hbm>>
    tpu.wait_dma2 semaphore(%arg22 : memref<!tpu.dma_semaphore, #tpu.memory_space<semaphore_mem>>) src(%arg14 : memref<400x64xf32, #tpu.memory_space<vmem>>) dst(%dma_wait3A_189 : memref<400x64xf32, #tpu.memory_space<hbm>>)
    %dma_wait3A_190 = arith.constant 0 : i32
    %dma_wait3A_191 = arith.constant 0 : i32
    %dma_wait3A_192 = tpu.memref_slice %arg6[%dma_wait3A_190, %dma_wait3A_191] : memref<819200x64xf32, #tpu.memory_space<hbm>> -> memref<400x64xf32, #tpu.memory_space<hbm>>
    %dma_wait3A_193 = arith.constant 0 : i32
    %dma_wait3A_194 = arith.constant 0 : i32
    %dma_wait3A_195 = tpu.memref_slice %arg6[%dma_wait3A_193, %dma_wait3A_194] : memref<819200x64xf32, #tpu.memory_space<hbm>> -> memref<400x64xf32, #tpu.memory_space<hbm>>
    tpu.wait_dma2 semaphore(%arg23 : memref<!tpu.dma_semaphore, #tpu.memory_space<semaphore_mem>>) src(%arg15 : memref<400x64xf32, #tpu.memory_space<vmem>>) dst(%dma_wait3A_195 : memref<400x64xf32, #tpu.memory_space<hbm>>)
    %dma_wait3A_196 = arith.constant 0 : i32
    %dma_wait3A_197 = arith.constant 0 : i32
    %dma_wait3A_198 = tpu.memref_slice %arg6[%dma_wait3A_196, %dma_wait3A_197] : memref<819200x64xf32, #tpu.memory_space<hbm>> -> memref<400x64xf32, #tpu.memory_space<hbm>>
    %dma_wait3A_199 = arith.constant 0 : i32
    %dma_wait3A_200 = arith.constant 0 : i32
    %dma_wait3A_201 = tpu.memref_slice %arg6[%dma_wait3A_199, %dma_wait3A_200] : memref<819200x64xf32, #tpu.memory_space<hbm>> -> memref<400x64xf32, #tpu.memory_space<hbm>>
    tpu.wait_dma2 semaphore(%arg24 : memref<!tpu.dma_semaphore, #tpu.memory_space<semaphore_mem>>) src(%arg16 : memref<400x64xf32, #tpu.memory_space<vmem>>) dst(%dma_wait3A_201 : memref<400x64xf32, #tpu.memory_space<hbm>>)
    return
  }
}

</mosaic_0001>

<sc_bundles>
// kernel: _emb_lookup.3.cloned.1.call-start
scs
__scs_entry_jumppad:
0x0: {  	(pc) =	sbr.rel $0x88, $3  }
0x1: {  	(tag) =	ssettag $0x0;
	lr =	simm.s32 $0x1  }
0x2: {  	[smem:$0x3F9D] =	sst lr;
	_ =	strace $0xD0000000  }
0x3: {  	_ = 	snop  }
0x4: {  	_ = 	snop  }
0x5: {  	_ = 	snop  }
0x6: {  	_ = 	snop  }
0x7: {  	_ = 	snop  }
__scs_overlays_trampoline_lowered:
0x8: {  	[smem:$0x3FAC] =	sst s0  }
0x9: {  	[smem:$0x3FAD] =	sst s1  }
0xa: {  	[smem:$0x3FAE] =	sst s2  }
0xb: {  	[smem:$0x3FAF] =	sst s3  }
0xc: {  	[smem:$0x3FB0] =	sst s4  }
0xd: {  	[smem:$0x3FB1] =	sst s5  }
0xe: {  	[smem:$0x3FB2] =	sst s6  }
0xf: {  	[smem:$0x3FB3] =	sst s7  }
0x10: {  	[smem:$0x3FB4] =	sst s8  }
0x11: {  	[smem:$0x3FB5] =	sst s9;
	s0 =	simm.s32 @!p0 $0x0  }
0x12: {  	s1 =	sld [smem:$0x3F9B];
	s0 =	simm.s32 @p0 $0x1  }
0x13: {  	[smem:$0x3FB6] =	sst s0;
	s0 =	simm.s32 @!p1 $0x0  }
0x14: {  	s2 =	sld [smem:$0x3F9A];
	s0 =	simm.s32 @p1 $0x1  }
0x15: {  	[smem:$0x3FB7] =	sst s0;
	s0 =	simm.s32 @!p2 $0x0  }
0x16: {  	s3 =	sld [smem:$0x3FDB];
	s0 =	simm.s32 @p2 $0x1  }
0x17: {  	s4 =	simm.s32 $0x1BF5;
	[smem:$0x3FB9] =	sst s0  }
0x18: {  	s0 =	sld [smem:$0x3F9C];
	_ =	swait.ge [sflag:s4], $0x0  }
0x19: {  	s7 =	sld [smem:$0x3F9D]  }
0x1a: {  	s8 =	sadd.s32 $0xFFFFE003, lr  }
0x1b: {  	s9 =	sadd.s32 $0xFFFFFEF7, lr;
	s5 =	simm.s32 $0xFFFFFFFF;
	p2 =	slt.u32 s8, $0xFFFFF086  }
0x1c: {  	p1 =	slt.u32 s9, $0xF7A;
	s5 =	simm.s32 @!p2 $0x0  }
0x1d: {  	s5 =	simm.s32 @p1 $0x1;
	p0 =	seq.s32 s7, s2  }
0x1e: {  	s7 =	smul.u32 @!p0 $0xF7A, s2;
	p2 =	seq.s32 @!p0 s5, $0x0  }
0x1f: {  	s9 =	smul.u32 $0xF7A, s1;
	s8 =	simm.s32 @!p0 $0x1BF5;
	p2 =	por !p2, p0  }
0x20: {  	[sflag:s8] =	ssyncset.s32 @!p0 $0xFFFFF086;
	s6 =	sadd.s32 @!p0 s3, s7;
	s7 =	simm.s32 @!p0 $0x108  }
0x21: {  	s3 =	sadd.s32 s3, s9;
	s6 =	sadd.s32 @!p0 $0x88, s6;
	s7 =	simm.s32 @p2 $0x1082  }
0x22: {  	[simem:s7], [sflag:s8] =	dma.local @!p0 [hbm:s6], $0xF7A  }
0x23: {  	s9 =	sor.u32 $0xD0000000, s2;
	s6 =	simm.s32 $0x108;
	_ =	swait.ge @!p0 [sflag:s8], $0x0  }
0x24: {  	s3 =	sadd.s32 $0x88, s3;
	s6 =	simm.s32 @!p1 $0x1082;
	[sflag:s4] =	ssyncset.s32 $0xFFFFF086  }
0x25: {  	[simem:s6], [sflag:s4] =	dma.local [hbm:s3], $0xF7A  }
0x26: {  	[smem:$0x3F9D] =	sst s1;
	(tag) =	ssettag s2;
	_ =	strace s9  }
0x27: {  	s1 =	sld [smem:$0x3FAD]  }
0x28: {  	s2 =	sld [smem:$0x3FAE]  }
0x29: {  	s4 =	sld [smem:$0x3FB0]  }
0x2a: {  	p0 =	seq.s32 s5, $0x0;
	s5 =	sld [smem:$0x3FB1]  }
0x2b: {  	s6 =	sld [smem:$0x3FB2]  }
0x2c: {  	s7 =	sld [smem:$0x3FB3]  }
0x2d: {  	s3 =	simm.s32 $0x108;
	s8 =	sld [smem:$0x3FB4]  }
0x2e: {  	s3 =	simm.s32 @!p0 $0x1082;
	s9 =	sld [smem:$0x3FB5]  }
0x2f: {  	lr =	sadd.s32 s0, s3;
	s0 =	sld [smem:$0x3FAC]  }
0x30: {  	s3 =	sld [smem:$0x3FAF]  }
0x31: {  	[smem:$0x3FB8] =	sst s10  }
0x32: {  	s10 =	sld [smem:$0x3FB6];
	_ =	sdelay $0x3  }
0x33: {  	p0 =	seq.s32 s10, $0x1;
	s10 =	sld [smem:$0x3FB8];
	_ =	sdelay $0x3  }
0x34: {  	[smem:$0x3FB8] =	sst s10  }
0x35: {  	s10 =	sld [smem:$0x3FB7];
	_ =	sdelay $0x3  }
0x36: {  	p1 =	seq.s32 s10, $0x1;
	s10 =	sld [smem:$0x3FB8];
	_ =	sdelay $0x3  }
0x37: {  	[smem:$0x3FB8] =	sst s10  }
0x38: {  	s10 =	sld [smem:$0x3FB9]  }
0x39: {  	_ = 	snop;
	(pc) =	sbr.ind lr, $3  }
0x3a: {  	_ = 	snop  }
0x3b: {  	_ = 	snop  }
0x3c: {  	p2 =	seq.s32 s10, $0x1;
	s10 =	sld [smem:$0x3FB8]  }
0x3d: {  	_ =	shalt  }
0x3e: {  	_ =	shalt  }
0x3f: {  	_ =	shalt  }
0x40: {  	_ =	shalt  }
0x41: {  	_ =	shalt  }
0x42: {  	_ =	shalt  }
0x43: {  	_ =	shalt  }
0x44: {  	_ =	shalt  }
0x45: {  	_ =	shalt  }
0x46: {  	_ =	shalt  }
0x47: {  	_ =	shalt  }
0x48: {  	_ =	shalt  }
0x49: {  	_ =	shalt  }
0x4a: {  	_ =	shalt  }
0x4b: {  	_ =	shalt  }
0x4c: {  	_ =	shalt  }
0x4d: {  	_ =	shalt  }
0x4e: {  	_ =	shalt  }
0x4f: {  	_ =	shalt  }
0x50: {  	_ =	shalt  }
0x51: {  	_ =	shalt  }
0x52: {  	_ =	shalt  }
0x53: {  	_ =	shalt  }
0x54: {  	_ =	shalt  }
0x55: {  	_ =	shalt  }
0x56: {  	_ =	shalt  }
0x57: {  	_ =	shalt  }
0x58: {  	_ =	shalt  }
0x59: {  	_ =	shalt  }
0x5a: {  	_ =	shalt  }
0x5b: {  	_ =	shalt  }
0x5c: {  	_ =	shalt  }
0x5d: {  	_ =	shalt  }
0x5e: {  	_ =	shalt  }
0x5f: {  	_ =	shalt  }
0x60: {  	_ =	shalt  }
0x61: {  	_ =	shalt  }
0x62: {  	_ =	shalt  }
0x63: {  	_ =	shalt  }
0x64: {  	_ =	shalt  }
0x65: {  	_ =	shalt  }
0x66: {  	_ =	shalt  }
0x67: {  	_ =	shalt  }
0x68: {  	_ =	shalt  }
0x69: {  	_ =	shalt  }
0x6a: {  	_ =	shalt  }
0x6b: {  	_ =	shalt  }
0x6c: {  	_ =	shalt  }
0x6d: {  	_ =	shalt  }
0x6e: {  	_ =	shalt  }
0x6f: {  	_ =	shalt  }
0x70: {  	_ =	shalt  }
0x71: {  	_ =	shalt  }
0x72: {  	_ =	shalt  }
0x73: {  	_ =	shalt  }
0x74: {  	_ =	shalt  }
0x75: {  	_ =	shalt  }
0x76: {  	_ =	shalt  }
0x77: {  	_ =	shalt  }
0x78: {  	_ =	shalt  }
0x79: {  	_ =	shalt  }
0x7a: {  	_ =	shalt  }
0x7b: {  	_ =	shalt  }
0x7c: {  	_ =	shalt  }
0x7d: {  	_ =	shalt  }
0x7e: {  	_ =	shalt  }
0x7f: {  	_ =	shalt  }
0x80: {  	_ =	shalt  }
0x81: {  	_ =	shalt  }
0x82: {  	_ =	shalt  }
0x83: {  	_ =	shalt  }
0x84: {  	_ =	shalt  }
0x85: {  	_ =	shalt  }
0x86: {  	_ =	shalt  }
0x87: {  	_ =	shalt  }
.Lfunc_end0:
.L_simem_size_0:
called_computation.1_lowered:
.L_overlay_start_0:
0x88: {  	s2 =	sld [smem:$0x3FD9]  }
0x89: {  	s3 =	sld [smem:$0x3FFE];
	_ =	sdelay $0x1  }
0x8a: {  	s1 =	srdreg.scid  }
0x8b: {  	s0 =	sand.u32 $0x1, s1  }
0x8c: {  	s14 =	sshll.u32 s0, $0xA;
	s2 =	sadd.s32 s3, s2  }
0x8d: {  	s2 =	sadd.s32 s2, s14  }
0x8e: {  	[smem:$0x3FC4] =	sst s2  }
0x8f: {  	_ = 	snop  }
0x90: {  	s2 =	sld [smem:$0x3FD0];
	_ =	sdelay $0x2  }
0x91: {  	s15 =	simm.s32 $0xA;
	s4 =	simm.s32 $0x10  }
0x92: {  	[smem:s4], [sflag:s15] =	dma.local [hbm:s2], $0x1  }
0x93: {  	_ =	swait.eq [sflag:s15], $0x1  }
0x94: {  	[sflag:s15] =	ssyncset.done $0x0  }
0x95: {  	s16 =	sld [smem:$0x10];
	[sflag:s15] =	ssyncadd.s32 $0xFFFFFFFF  }
0x96: {  	s17 =	sld [smem:$0x11];
	(tm) =	ssettm $0x1  }
0x97: {  	s18 =	sld [smem:$0x3FFB];
	_ =	sdelay $0x3  }
0x98: {  	_ =	strace s18  }
0x99: {  	s4 =	sld [smem:$0x3FFC];
	_ =	sdelay $0x3  }
0x9a: {  	_ =	strace s4  }
0x9b: {  	s4 =	sld [smem:$0x3FFD];
	_ =	sdelay $0x3  }
0x9c: {  	_ =	strace s4  }
0x9d: {  	_ =	strace $0x8FFFFFFF  }
0x9e: {  	s19 =	sld [smem:$0x3FDB];
	_ =	sdelay $0x1  }
0x9f: {  	s5 =	simm.s32 $_scs_section_size  }
0xa0: {  	s6 =	simm.s32 $_size__tile_overlayer_lowered;
	s7 =	simm.s32 $_tile_overlayer_lowered  }
0xa1: {  	s22 =	simm.s32 $0x1BFF;
	s21 =	sshll.u32 s7, $0x1;
	s4 =	sadd.s32 s5, s19  }
0xa2: {  	s8 =	simm.s32 $0x0;
	s20 =	sshll.u32 s6, $0x1;
	s6 =	sadd.s32 s21, s4  }
0xa3: {  	[timem:s8], [sflag:s22] =	dma.local [hbm:s6], s20  }
0xa4: {  	_ =	swait.ge [sflag:s22], s20  }
0xa5: {  	s5 =	ssub.s32 $0x0, s20;
	[sflag:s22] =	ssyncset.done $0x0  }
0xa6: {  	[sflag:s22] =	ssyncadd.s32 s5;
	_ =	sdelay $0x1  }
0xa7: {  	s23 =	simm.s32 $0x1B8B  }
0xa8: {  	_ =	swait.ge [sflag:s23], $0x1  }
0xa9: {  	[sflag:s23] =	ssyncset.done $0x0  }
0xaa: {  	s25 =	simm.s32 $0x1B8E;
	s24 =	sld [smem:$0x3FFE];
	[sflag:s23] =	ssyncadd.s32 $0xFFFFFFFF  }
0xab: {  	s26 =	simm.s32 $execute0_lowered;
	[smem:$0x3FD2] =	sst s25  }
0xac: {  	s6 =	sshll.u32 s26, $0x1;
	_ =	strace $0x80000046;
	[dreg:$0x1] =	wrdreg $0xFFFFFFFF  }
0xad: {  	s28 =	simm.s32 $_size_execute0_lowered;
	s4 =	sadd.s32 s4, s6;
	[dreg:$0x0] =	wrdreg $0x0  }
0xae: {  	s6 =	sshll.u32 s28, $0x1;
	[dreg:$0x2] =	wrdreg s4  }
0xaf: {  	[dreg:$0x3] =	wrdreg s6  }
0xb0: {  	[dreg:$0x4] =	wrdreg $0xC0  }
0xb1: {  	_ =	task [dreg:s8], $0x5FFFF  }
0xb2: {  	[dreg:$0x1] =	wrdreg $0xFFFFFFFF  }
0xb3: {  	[dreg:$0x0] =	wrdreg $0x60  }
0xb4: {  	[dreg:$0x2] =	wrdreg s24  }
0xb5: {  	[dreg:$0x3] =	wrdreg s17  }
0xb6: {  	[dreg:$0x4] =	wrdreg s16  }
0xb7: {  	[dreg:$0x5] =	wrdreg $0x9  }
0xb8: {  	_ =	task.clear_ibuf [dreg:s8], $0x6FFFF;
	_ =	strace $0x90000046  }
0xb9: {  	s29 =	simm.s32 $0x9;
	_ =	strace $0x80000048  }
0xba: {  	_ =	swait.ge [sflag:s29], $0x1  }
0xbb: {  	[sflag:s29] =	ssyncadd.s32 $0xFFFFFFFF  }
0xbc: {  	_ =	strace $0x90000048  }
0xbd: {  	_ =	sfence  }
0xbe: {  	s30 =	sld [smem:$0x0];
	_ =	sdelay $0x2  }
0xbf: {  	s31 =	sshll.u32 s1, $0xD;
	s1 =	sshrl.u32 s1, $0x2  }
0xc0: {  	s3 =	sand.u32 $0x4000, s31;
	s1 =	sadd.s32 s1, s30  }
0xc1: {  	s0 =	sor.u32 s3, s0;
	s1 =	sshll.u32 s1, $0x11  }
0xc2: {  	s0 =	sor.u32 s1, s0  }
0xc3: {  	s0 =	sadd.s32 $0x8F2B, s0  }
0xc4: {  	[sflag:s0] =	ssyncadd.remote.s32 $0x1  }
0xc5: {  	_ =	sfence.sel $0xFFFF  }
0xc6: {  	[dreg:$0x0] =	wrdreg $0xFFFFFFFF;
	(pc) =	sbr.abs _section_cstart, $3  }
0xc7: {  	[dreg:$0x1] =	wrdreg $0xFFFFFFFF  }
0xc8: {  	_ =	task.clear_ibuf [dreg:s8], $0x2FFFF;
	_ =	strace $0x9FFFFFFF  }
0xc9: {  	(tm) =	ssettm $0x7FFFFFFF  }
tec
execute0_lowered:
.L_overlay_start_1:
0x0: {  	(tag) =	ssettag $0x1  }
0x1: {  	s0 =	rddreg [dreg:$0x0]  }
0x2: {  	s3 =	rddreg [dreg:$0x2]  }
0x3: {  	s4 =	simm.s32 $0x0;
	s1 =	srdreg.scid;
	s8 =	stileid.u32  }
0x4: {  	s22 =	simm.s32 $0x9;
	s24 =	simm.s32 $0x64;
	s28 =	simm.s32 $0x10080  }
0x5: {  	s13 =	simm.s32 $0x16480;
	s14 =	simm.s32 $0x1;
	s23 =	simm.s32 $0x2  }
0x6: {  	s20 =	simm.s32 $0x3;
	s21 =	simm.s32 $0x4;
	s10 =	simm.s32 $0x7  }
0x7: {  	s12 =	simm.s32 $0x0;
	[smem:$0x7FF] =	sst s4;
	s1 =	sand.u32 $0x1, s1  }
0x8: {  	s2 =	sshll.u32 s8, $0x1;
	s5 =	sadd.s32 $0x1400, s0;
	s6 =	sadd.s32 $0xF43800, s0  }
0x9: {  	s9 =	sadd.s32 $0x1B400, s0;
	s0 =	sadd.s32 $0x1C400, s0;
	_ =	strace $0x80000047  }
0xa: {  	s2 =	sor.u32 s1, s2;
	[dreg:$0x4] =	wrdreg s9;
	s26 =	ssub.s32 $0x2, s1  }
0xb: {  	[dreg:$0x5] =	wrdreg s0;
	s7 =	smul.u32 $0xD00, s2;
	s1 =	sshrl.u32 s26, $0x1  }
0xc: {  	s9 =	smul.u32 $0x6400, s2;
	s11 =	sshll.u32 s2, $0x6;
	p0 =	sne.s32 s2, $0x0  }
0xd: {  	s0 =	ssub.s32 s26, s1;
	s16 =	sor.u32 $0x4, s11;
	s18 =	sor.u32 $0x5, s11  }
0xe: {  	s19 =	sor.u32 $0x6, s11;
	s1 =	sshll.u32 @!p0 s8, $0x6;
	s7 =	sadd.s32 s5, s7  }
0xf: {  	s26 =	simm.s32 $0x3540;
	s0 =	smax.u32 s0, $0x1;
	[dreg:$0x6] =	wrdreg s7  }
.Ltmp0:
0x10: {  	s29 =	sadd.s32 $0x34, s7;
	[dreg:$0xa] =	wrdreg s0;
	(pc) =	sbr.rel .LBB2_1-.Ltmp0, $4  }
0x11: {  	s8 =	simm.s32 $0x14B80;
	s30 =	sadd.s32 $0x68, s7;
	[dreg:$0x7] =	wrdreg s29  }
0x12: {  	s15 =	sor.u32 $0x190, s9;
	s31 =	sadd.s32 $0x9C, s7;
	[dreg:$0x8] =	wrdreg s30  }
0x13: {  	s17 =	sor.u32 $0x320, s9;
	s0 =	sor.u32 @!p0 $0x1C09, s1;
	[dreg:$0x9] =	wrdreg s31  }
0x14: {  	s1 =	simm.s32 $0x9C80;
	s7 =	simm.s32 $0x3678;
	[dreg:$0xb] =	wrdreg s0  }
.LBB2_12:
0x15: {  	s0 =	simm.s32 $0x5  }
0x16: {  	_ =	swait.ge [sflag:s0], $0x6400  }
0x17: {  	[sflag:s0] =	ssyncset.done $0x0  }
0x18: {  	s30 =	simm.s32 $0x6;
	[sflag:s0] =	ssyncadd.s32 $0xFFFF9C00  }
0x19: {  	_ =	swait.ge [sflag:s30], $0x6400  }
0x1a: {  	[sflag:s30] =	ssyncset.done $0x0  }
0x1b: {  	[sflag:s30] =	ssyncadd.s32 $0xFFFF9C00  }
0x1c: {  	_ =	swait.ge [sflag:s10], $0x6400  }
0x1d: {  	[sflag:s10] =	ssyncset.done $0x0  }
0x1e: {  	s2 =	simm.s32 $0x8;
	[sflag:s10] =	ssyncadd.s32 $0xFFFF9C00  }
0x1f: {  	_ =	swait.ge [sflag:s2], $0x6400  }
0x20: {  	s12 =	rddreg [dreg:$0xc]  }
0x21: {  	s31 =	rddreg [dreg:$0xa];
	s12 =	sadd.s32 $0x1, s12  }
0x22: {  	p1 =	sne.s32 s12, s31  }
.Ltmp1:
0x23: {  	_ = 	snop;
	(pc) =	sbr.rel @!p1 .LBB2_13-.Ltmp1, $3  }
0x24: {  	_ =	sdelay $0x1  }
0x25: {  	[sflag:s2] =	ssyncset.done $0x0  }
0x26: {  	[sflag:s2] =	ssyncadd.s32 $0xFFFF9C00  }
.LBB2_1:
0x27: {  	[dreg:$0xc] =	wrdreg s12  }
0x28: {  	s0 =	rddreg [dreg:$0x1]  }
0x29: {  	s2 =	rddreg [dreg:$0x5]  }
0x2a: {  	s12 =	rddreg [dreg:$0xb]  }
0x2b: {  	[hbm:s2], [sflag:s12] =	dma.local @!p0 [hbm:s0], $0x60  }
0x2c: {  	s2 =	simm.s32 @!p0 $0x9  }
0x2d: {  	_ =	swait.ge @!p0 [sflag:s2], $0x60  }
0x2e: {  	[sflag:s2] =	ssyncset.done @!p0 $0x0  }
0x2f: {  	s29 =	rddreg [dreg:$0x4];
	[sflag:s2] =	ssyncadd.s32 @!p0 $0xFFFFFFA0  }
0x30: {  	[tilespmem:s4], [sflag:$0x9] =	stream.linear.gather [hbm4b:s29+s4], $0x3200, $0x38;
	[tilespmem:$0x1C880] =	vst v63  }
0x31: {  	_ =	swait.ge [sflag:s22], $0x3200  }
0x32: {  	[sflag:s22] =	ssyncset.done $0x0  }
0x33: {  	s31 =	simm.s32 $0x3200;
	s30 =	rddreg [dreg:$0x6];
	[sflag:s22] =	ssyncadd.s32 $0xFFFFCE00  }
0x34: {  	[tilespmem:s31], [sflag:$0x9] =	stream.linear.gather [hbm4b:s30+s4], $0x1A0, $0x38;
	[tilespmem:$0x1C880] =	vst v63  }
0x35: {  	_ =	swait.ge [sflag:s22], $0x1A0  }
0x36: {  	[sflag:s22] =	ssyncset.done $0x0  }
0x37: {  	s12 =	simm.s32 $0x3880;
	[sflag:s22] =	ssyncadd.s32 $0xFFFFFE60  }
0x38: {  	[tilespmem:s12], [sflag:$0x1] =	stream.indirect.gather [hbm4b:s6+s24], $0x40, s31, s24, $0xb8;
	[tilespmem:$0x1C880] =	vst v63  }
0x39: {  	s25 =	simm.s32 $0x3268;
	s29 =	simm.s32 $0x5180  }
0x3a: {  	[tilespmem:s29], [sflag:$0x1] =	stream.indirect.gather [hbm4b:s6+s24], $0x40, s25, s24, $0xb8;
	[tilespmem:$0x1C880] =	vst v63  }
0x3b: {  	s30 =	simm.s32 $0x32D0;
	s31 =	simm.s32 $0x6A80  }
0x3c: {  	[tilespmem:s31], [sflag:$0x1] =	stream.indirect.gather [hbm4b:s6+s24], $0x40, s30, s24, $0xb8;
	[tilespmem:$0x1C880] =	vst v63  }
0x3d: {  	s2 =	simm.s32 $0x3338;
	s12 =	simm.s32 $0x8380  }
0x3e: {  	[tilespmem:s12], [sflag:$0x1] =	stream.indirect.gather [hbm4b:s6+s24], $0x40, s2, s24, $0xb8;
	[tilespmem:$0x1C880] =	vst v63  }
0x3f: {  	s25 =	rddreg [dreg:$0x7];
	s29 =	simm.s32 $0x33A0  }
0x40: {  	[tilespmem:s29], [sflag:$0x9] =	stream.linear.gather [hbm4b:s25+s4], $0x1A0, $0x38;
	[tilespmem:$0x1C880] =	vst v63  }
0x41: {  	_ =	swait.ge [sflag:s22], $0x1A0  }
0x42: {  	[sflag:s22] =	ssyncset.done $0x0  }
0x43: {  	[sflag:s22] =	ssyncadd.s32 $0xFFFFFE60  }
0x44: {  	[tilespmem:s1], [sflag:$0x2] =	stream.indirect.gather [hbm4b:s6+s24], $0x40, s29, s24, $0xb8;
	[tilespmem:$0x1C880] =	vst v63  }
0x45: {  	s30 =	simm.s32 $0x3408;
	s31 =	simm.s32 $0xB580  }
0x46: {  	[tilespmem:s31], [sflag:$0x2] =	stream.indirect.gather [hbm4b:s6+s24], $0x40, s30, s24, $0xb8;
	[tilespmem:$0x1C880] =	vst v63  }
0x47: {  	s12 =	simm.s32 $0x3470;
	s25 =	simm.s32 $0xCE80  }
0x48: {  	[tilespmem:s25], [sflag:$0x2] =	stream.indirect.gather [hbm4b:s6+s24], $0x40, s12, s24, $0xb8;
	[tilespmem:$0x1C880] =	vst v63  }
0x49: {  	s29 =	simm.s32 $0x34D8;
	s30 =	simm.s32 $0xE780  }
0x4a: {  	[tilespmem:s30], [sflag:$0x2] =	stream.indirect.gather [hbm4b:s6+s24], $0x40, s29, s24, $0xb8;
	[tilespmem:$0x1C880] =	vst v63  }
0x4b: {  	s31 =	rddreg [dreg:$0x8]  }
0x4c: {  	[tilespmem:s26], [sflag:$0x9] =	stream.linear.gather [hbm4b:s31+s4], $0x1A0, $0x38;
	[tilespmem:$0x1C880] =	vst v63  }
0x4d: {  	_ =	swait.ge [sflag:s22], $0x1A0  }
0x4e: {  	[sflag:s22] =	ssyncset.done $0x0  }
0x4f: {  	[sflag:s22] =	ssyncadd.s32 $0xFFFFFE60  }
0x50: {  	[tilespmem:s28], [sflag:$0x3] =	stream.indirect.gather [hbm4b:s6+s24], $0x40, s26, s24, $0xb8;
	[tilespmem:$0x1C880] =	vst v63  }
0x51: {  	s2 =	simm.s32 $0x35A8;
	s12 =	simm.s32 $0x11980  }
0x52: {  	[tilespmem:s12], [sflag:$0x3] =	stream.indirect.gather [hbm4b:s6+s24], $0x40, s2, s24, $0xb8;
	[tilespmem:$0x1C880] =	vst v63  }
0x53: {  	s25 =	simm.s32 $0x3610;
	s29 =	simm.s32 $0x13280  }
0x54: {  	[tilespmem:s29], [sflag:$0x3] =	stream.indirect.gather [hbm4b:s6+s24], $0x40, s25, s24, $0xb8;
	[tilespmem:$0x1C880] =	vst v63  }
0x55: {  	_ = 	snop  }
0x56: {  	[tilespmem:s8], [sflag:$0x3] =	stream.indirect.gather [hbm4b:s6+s24], $0x40, s7, s24, $0xb8;
	[tilespmem:$0x1C880] =	vst v63  }
0x57: {  	s31 =	simm.s32 $0x36E0;
	s30 =	rddreg [dreg:$0x9]  }
0x58: {  	[tilespmem:s31], [sflag:$0x9] =	stream.linear.gather [hbm4b:s30+s4], $0x1A0, $0x38;
	[tilespmem:$0x1C880] =	vst v63  }
0x59: {  	_ =	swait.ge [sflag:s22], $0x1A0  }
0x5a: {  	[sflag:s22] =	ssyncset.done $0x0  }
0x5b: {  	[sflag:s22] =	ssyncadd.s32 $0xFFFFFE60  }
0x5c: {  	[tilespmem:s13], [sflag:$0x4] =	stream.indirect.gather [hbm4b:s6+s24], $0x40, s31, s24, $0xb8;
	[tilespmem:$0x1C880] =	vst v63  }
0x5d: {  	s2 =	simm.s32 $0x3748;
	s12 =	simm.s32 $0x17D80  }
0x5e: {  	[tilespmem:s12], [sflag:$0x4] =	stream.indirect.gather [hbm4b:s6+s24], $0x40, s2, s24, $0xb8;
	[tilespmem:$0x1C880] =	vst v63  }
0x5f: {  	s25 =	simm.s32 $0x37B0;
	s29 =	simm.s32 $0x19680  }
0x60: {  	[tilespmem:s29], [sflag:$0x4] =	stream.indirect.gather [hbm4b:s6+s24], $0x40, s25, s24, $0xb8;
	[tilespmem:$0x1C880] =	vst v63  }
0x61: {  	s30 =	simm.s32 $0x3818;
	s31 =	simm.s32 $0x1AF80;
	s2 =	simm.s32 $0x0  }
0x62: {  	[tilespmem:s31], [sflag:$0x4] =	stream.indirect.gather [hbm4b:s6+s24], $0x40, s30, s24, $0xb8;
	[tilespmem:$0x1C880] =	vst v63  }
.LBB2_2:
0x63: {  	_ =	swait.ge [sflag:s14], $0x6400  }
0x64: {  	[sflag:s14] =	ssyncset.done $0x0  }
0x65: {  	s12 =	simm.s32 $0x0;
	[sflag:s14] =	ssyncadd.s32 $0xFFFF9C00  }
0x66: {  	v3 =	vld [tilespmem:s12+$0x0]  }
0x67: {  	v2 =	vld [tilespmem:s12+$0x10]  }
0x68: {  	v1 =	vld [tilespmem:s12+$0x20]  }
0x69: {  	v0 =	vld [tilespmem:s12+$0x30]  }
0x6a: {  	v4 =	vld [tilespmem:s12+$0x3880]  }
0x6b: {  	v9 =	vld [tilespmem:s12+$0x3890]  }
0x6c: {  	v8 =	vld [tilespmem:s12+$0x38A0]  }
0x6d: {  	v7 =	vld [tilespmem:s12+$0x38B0]  }
0x6e: {  	v6 =	vld [tilespmem:s12+$0x6A80]  }
0x6f: {  	v5 =	vld [tilespmem:s12+$0x6A90];
	v10 =	vadd.f32 v4, v3  }
0x70: {  	s25 =	simm.s32 $0x100;
	v9 =	vadd.f32 v9, v2;
	v4 =	vld [tilespmem:s12+$0x6AA0]  }
.LBB2_3:
0x71: {  	s29 =	sshra.s32 s25, $0x2;
	p1 =	sne.s32 s25, $0xC700;
	[tilespmem:s12+$0x3880] =	vst v10;
	v8 =	vadd.f32 v8, v1;
	v10 =	vld [tilespmem:s12+$0x6AB0]  }
0x72: {  	v11 =	vld [tilespmem:s29+$0x0];
	[tilespmem:s12+$0x3890] =	vst v9;
	v7 =	vadd.f32 v7, v0  }
0x73: {  	v9 =	vld [tilespmem:s29+$0x10];
	[tilespmem:s12+$0x38A0] =	vst v8;
	v3 =	vadd.f32 v6, v3  }
0x74: {  	v6 =	vld [tilespmem:s29+$0x20];
	[tilespmem:s12+$0x38B0] =	vst v7;
	v2 =	vadd.f32 v5, v2  }
0x75: {  	v5 =	vld [tilespmem:s29+$0x30];
	[tilespmem:s12+$0x6A80] =	vst v3;
	v1 =	vadd.f32 v4, v1  }
0x76: {  	v4 =	vld [tilespmem:s29+$0x3880];
	[tilespmem:s12+$0x6A90] =	vst v2;
	v0 =	vadd.f32 v10, v0  }
0x77: {  	v12 =	vld [tilespmem:s29+$0x3890];
	[tilespmem:s12+$0x6AA0] =	vst v1;
	v3 =	vmov v11  }
.Ltmp2:
0x78: {  	v8 =	vld [tilespmem:s29+$0x38A0];
	[tilespmem:s12+$0x6AB0] =	vst v0;
	v2 =	vmov v9;
	s12 =	smov.u32 s29;
	(pc) =	sbr.rel @p1 .LBB2_3-.Ltmp2, $4  }
0x79: {  	v7 =	vld [tilespmem:s12+$0x38B0];
	v1 =	vmov v6  }
0x7a: {  	v6 =	vld [tilespmem:s12+$0x6A80];
	v0 =	vmov v5  }
0x7b: {  	v10 =	vadd.f32 v4, v3;
	v5 =	vld [tilespmem:s12+$0x6A90]  }
0x7c: {  	s25 =	sadd.s32 $0x100, s25;
	v9 =	vadd.f32 v12, v2;
	v4 =	vld [tilespmem:s12+$0x6AA0]  }
0x7d: {  	[tilespmem:s12+$0x3880] =	vst v10;
	v8 =	vadd.f32 v8, v1;
	v10 =	vld [tilespmem:s12+$0x6AB0]  }
0x7e: {  	[tilespmem:s12+$0x3890] =	vst v9;
	v7 =	vadd.f32 v7, v0  }
0x7f: {  	[tilespmem:s12+$0x38A0] =	vst v8;
	v3 =	vadd.f32 v6, v3  }
0x80: {  	s25 =	smul.u32 $0x640, s2;
	[tilespmem:s12+$0x38B0] =	vst v7;
	v2 =	vadd.f32 v5, v2  }
0x81: {  	[tilespmem:s12+$0x6A80] =	vst v3;
	v1 =	vadd.f32 v4, v1  }
0x82: {  	s29 =	sadd.s32 s9, s25;
	[tilespmem:s12+$0x6A90] =	vst v2;
	v0 =	vadd.f32 v10, v0  }
0x83: {  	s29 =	sshll.u32 s29, $0x3;
	[tilespmem:s12+$0x6AA0] =	vst v1  }
0x84: {  	s0 =	simm.s32 $0x3880;
	[tilespmem:s12+$0x6AB0] =	vst v0;
	s12 =	sadd.s32 s3, s29  }
0x85: {  	[hbm4b:s12+s4] =	stream.linear.scatter [tilespmem:s0], [sflag:$0x5], $0x6400, $0x38;
	[tilespmem:$0x1C880] =	vst v63  }
0x86: {  	p1 =	seq.s32 s2, $0x0;
	s12 =	sshllo.u32 s2, $0x2  }
0x87: {  	s29 =	simm.s32 @!p1 $0x8;
	s30 =	sadd.s32 @!p1 s11, s12  }
0x88: {  	_ =	swait.ge @!p1 [sflag:s29], $0x6400;
	s30 =	smul.u32 @!p1 $0x34, s30  }
0x89: {  	s31 =	simm.s32 @!p1 $0x36E0;
	[sflag:s29] =	ssyncset.done @!p1 $0x0  }
0x8a: {  	[sflag:s29] =	ssyncadd.s32 @!p1 $0xFFFF9C00;
	s29 =	sadd.s32 @!p1 s5, s30;
	s30 =	simm.s32 @!p1 $0x0  }
0x8b: {  	[tilespmem:s31], [sflag:$0x9] =	stream.linear.gather @!p1 [hbm4b:s29+s30], $0x1A0, $0x38;
	[tilespmem:$0x1C880] =	vst v63  }
0x8c: {  	s29 =	simm.s32 @!p1 $0x9  }
0x8d: {  	_ =	swait.ge @!p1 [sflag:s29], $0x1A0  }
0x8e: {  	[sflag:s29] =	ssyncset.done @!p1 $0x0  }
0x8f: {  	s30 =	simm.s32 @!p1 $0x16480;
	[sflag:s29] =	ssyncadd.s32 @!p1 $0xFFFFFE60;
	s29 =	simm.s32 @!p1 $0x64  }
0x90: {  	[tilespmem:s30], [sflag:$0x4] =	stream.indirect.gather @!p1 [hbm4b:s6+s29], $0x40, s31, s29, $0xb8;
	[tilespmem:$0x1C880] =	vst v63  }
0x91: {  	s30 =	simm.s32 @!p1 $0x3748;
	s31 =	simm.s32 @!p1 $0x17D80  }
0x92: {  	[tilespmem:s31], [sflag:$0x4] =	stream.indirect.gather @!p1 [hbm4b:s6+s29], $0x40, s30, s29, $0xb8;
	[tilespmem:$0x1C880] =	vst v63  }
0x93: {  	s30 =	simm.s32 @!p1 $0x37B0;
	s31 =	simm.s32 @!p1 $0x19680  }
0x94: {  	[tilespmem:s31], [sflag:$0x4] =	stream.indirect.gather @!p1 [hbm4b:s6+s29], $0x40, s30, s29, $0xb8;
	[tilespmem:$0x1C880] =	vst v63  }
0x95: {  	s30 =	simm.s32 @!p1 $0x3818;
	s31 =	simm.s32 @!p1 $0x1AF80  }
0x96: {  	[tilespmem:s31], [sflag:$0x4] =	stream.indirect.gather @!p1 [hbm4b:s6+s29], $0x40, s30, s29, $0xb8;
	[tilespmem:$0x1C880] =	vst v63  }
0x97: {  	_ =	swait.ge [sflag:s23], $0x6400  }
0x98: {  	[sflag:s23] =	ssyncset.done $0x0  }
0x99: {  	s30 =	simm.s32 $0x0;
	[sflag:s23] =	ssyncadd.s32 $0xFFFF9C00  }
0x9a: {  	v3 =	vld [tilespmem:s30+$0x0]  }
0x9b: {  	v2 =	vld [tilespmem:s30+$0x10]  }
0x9c: {  	v1 =	vld [tilespmem:s30+$0x20]  }
0x9d: {  	v0 =	vld [tilespmem:s30+$0x30]  }
0x9e: {  	v6 =	vld [tilespmem:s30+$0x9C80]  }
0x9f: {  	v9 =	vld [tilespmem:s30+$0x9C90]  }
0xa0: {  	v8 =	vld [tilespmem:s30+$0x9CA0]  }
0xa1: {  	v7 =	vld [tilespmem:s30+$0x9CB0]  }
0xa2: {  	v5 =	vld [tilespmem:s30+$0xCE80]  }
0xa3: {  	v4 =	vld [tilespmem:s30+$0xCE90];
	v10 =	vadd.f32 v6, v3  }
0xa4: {  	s29 =	sshll.u32 s2, $0x2;
	s31 =	simm.s32 $0x100;
	v9 =	vadd.f32 v9, v2;
	v6 =	vld [tilespmem:s30+$0xCEA0]  }
.LBB2_5:
0xa5: {  	s0 =	sshra.s32 s31, $0x2;
	p1 =	sne.s32 s31, $0xC700;
	[tilespmem:s30+$0x9C80] =	vst v10;
	v8 =	vadd.f32 v8, v1;
	v10 =	vld [tilespmem:s30+$0xCEB0]  }
0xa6: {  	v11 =	vld [tilespmem:s0+$0x0];
	[tilespmem:s30+$0x9C90] =	vst v9;
	v7 =	vadd.f32 v7, v0  }
0xa7: {  	v9 =	vld [tilespmem:s0+$0x10];
	[tilespmem:s30+$0x9CA0] =	vst v8;
	v3 =	vadd.f32 v5, v3  }
0xa8: {  	v5 =	vld [tilespmem:s0+$0x20];
	[tilespmem:s30+$0x9CB0] =	vst v7;
	v2 =	vadd.f32 v4, v2  }
0xa9: {  	v4 =	vld [tilespmem:s0+$0x30];
	[tilespmem:s30+$0xCE80] =	vst v3;
	v1 =	vadd.f32 v6, v1  }
0xaa: {  	v6 =	vld [tilespmem:s0+$0x9C80];
	[tilespmem:s30+$0xCE90] =	vst v2;
	v0 =	vadd.f32 v10, v0  }
0xab: {  	v12 =	vld [tilespmem:s0+$0x9C90];
	[tilespmem:s30+$0xCEA0] =	vst v1;
	v3 =	vmov v11  }
.Ltmp3:
0xac: {  	v8 =	vld [tilespmem:s0+$0x9CA0];
	[tilespmem:s30+$0xCEB0] =	vst v0;
	v2 =	vmov v9;
	s30 =	smov.u32 s0;
	(pc) =	sbr.rel @p1 .LBB2_5-.Ltmp3, $4  }
0xad: {  	v7 =	vld [tilespmem:s30+$0x9CB0];
	v1 =	vmov v5  }
0xae: {  	v5 =	vld [tilespmem:s30+$0xCE80];
	v0 =	vmov v4  }
0xaf: {  	v10 =	vadd.f32 v6, v3;
	v4 =	vld [tilespmem:s30+$0xCE90]  }
0xb0: {  	s31 =	sadd.s32 $0x100, s31;
	v9 =	vadd.f32 v12, v2;
	v6 =	vld [tilespmem:s30+$0xCEA0]  }
0xb1: {  	[tilespmem:s30+$0x9C80] =	vst v10;
	v8 =	vadd.f32 v8, v1;
	v10 =	vld [tilespmem:s30+$0xCEB0]  }
0xb2: {  	[tilespmem:s30+$0x9C90] =	vst v9;
	v7 =	vadd.f32 v7, v0  }
0xb3: {  	[tilespmem:s30+$0x9CA0] =	vst v8;
	v3 =	vadd.f32 v5, v3  }
0xb4: {  	[tilespmem:s30+$0x9CB0] =	vst v7;
	v2 =	vadd.f32 v4, v2  }
0xb5: {  	s0 =	sadd.s32 s25, s15;
	[tilespmem:s30+$0xCE80] =	vst v3;
	v1 =	vadd.f32 v6, v1  }
0xb6: {  	s0 =	sshll.u32 s0, $0x3;
	[tilespmem:s30+$0xCE90] =	vst v2;
	v0 =	vadd.f32 v10, v0  }
0xb7: {  	s0 =	sand.u32 $0x1FFFFE80, s0;
	[tilespmem:s30+$0xCEA0] =	vst v1  }
0xb8: {  	p1 =	seq.s32 s2, $0xF;
	s0 =	sadd.s32 s3, s0;
	[tilespmem:s30+$0xCEB0] =	vst v0  }
0xb9: {  	[hbm4b:s0+s4] =	stream.linear.scatter [tilespmem:s1], [sflag:$0x6], $0x6400, $0x38;
	[tilespmem:$0x1C880] =	vst v63  }
0xba: {  	s30 =	sadd.s32 @!p1 s29, s16;
	s0 =	simm.s32 @!p1 $0x5  }
0xbb: {  	s30 =	smul.u32 @!p1 $0x34, s30;
	_ =	swait.ge @!p1 [sflag:s0], $0x6400  }
0xbc: {  	s31 =	simm.s32 @!p1 $0x3200;
	[sflag:s0] =	ssyncset.done @!p1 $0x0  }
0xbd: {  	[sflag:s0] =	ssyncadd.s32 @!p1 $0xFFFF9C00;
	s0 =	sadd.s32 @!p1 s5, s30;
	s30 =	simm.s32 @!p1 $0x0  }
0xbe: {  	[tilespmem:s31], [sflag:$0x9] =	stream.linear.gather @!p1 [hbm4b:s0+s30], $0x1A0, $0x38;
	[tilespmem:$0x1C880] =	vst v63  }
0xbf: {  	s0 =	simm.s32 @!p1 $0x9  }
0xc0: {  	_ =	swait.ge @!p1 [sflag:s0], $0x1A0  }
0xc1: {  	[sflag:s0] =	ssyncset.done @!p1 $0x0  }
0xc2: {  	s30 =	simm.s32 @!p1 $0x3880;
	[sflag:s0] =	ssyncadd.s32 @!p1 $0xFFFFFE60;
	s0 =	simm.s32 @!p1 $0x64  }
0xc3: {  	[tilespmem:s30], [sflag:$0x1] =	stream.indirect.gather @!p1 [hbm4b:s6+s0], $0x40, s31, s0, $0xb8;
	[tilespmem:$0x1C880] =	vst v63  }
0xc4: {  	s30 =	simm.s32 @!p1 $0x3268;
	s31 =	simm.s32 @!p1 $0x5180  }
0xc5: {  	[tilespmem:s31], [sflag:$0x1] =	stream.indirect.gather @!p1 [hbm4b:s6+s0], $0x40, s30, s0, $0xb8;
	[tilespmem:$0x1C880] =	vst v63  }
0xc6: {  	s30 =	simm.s32 @!p1 $0x32D0;
	s31 =	simm.s32 @!p1 $0x6A80  }
0xc7: {  	[tilespmem:s31], [sflag:$0x1] =	stream.indirect.gather @!p1 [hbm4b:s6+s0], $0x40, s30, s0, $0xb8;
	[tilespmem:$0x1C880] =	vst v63  }
0xc8: {  	s30 =	simm.s32 @!p1 $0x3338;
	s31 =	simm.s32 @!p1 $0x8380  }
0xc9: {  	[tilespmem:s31], [sflag:$0x1] =	stream.indirect.gather @!p1 [hbm4b:s6+s0], $0x40, s30, s0, $0xb8;
	[tilespmem:$0x1C880] =	vst v63  }
0xca: {  	_ =	swait.ge [sflag:s20], $0x6400  }
0xcb: {  	[sflag:s20] =	ssyncset.done $0x0  }
0xcc: {  	s30 =	simm.s32 $0x0;
	[sflag:s20] =	ssyncadd.s32 $0xFFFF9C00  }
0xcd: {  	v3 =	vld [tilespmem:s30+$0x0]  }
0xce: {  	v2 =	vld [tilespmem:s30+$0x10]  }
0xcf: {  	v1 =	vld [tilespmem:s30+$0x20]  }
0xd0: {  	v0 =	vld [tilespmem:s30+$0x30]  }
0xd1: {  	v5 =	vld [tilespmem:s30+$0x10080]  }
0xd2: {  	v9 =	vld [tilespmem:s30+$0x10090]  }
0xd3: {  	v8 =	vld [tilespmem:s30+$0x100A0]  }
0xd4: {  	v7 =	vld [tilespmem:s30+$0x100B0]  }
0xd5: {  	v6 =	vld [tilespmem:s30+$0x13280]  }
0xd6: {  	v4 =	vld [tilespmem:s30+$0x13290];
	v10 =	vadd.f32 v5, v3  }
0xd7: {  	s31 =	simm.s32 $0x100;
	v9 =	vadd.f32 v9, v2;
	v5 =	vld [tilespmem:s30+$0x132A0]  }
.LBB2_7:
0xd8: {  	s0 =	sshra.s32 s31, $0x2;
	p2 =	sne.s32 s31, $0xC700;
	[tilespmem:s30+$0x10080] =	vst v10;
	v8 =	vadd.f32 v8, v1;
	v10 =	vld [tilespmem:s30+$0x132B0]  }
0xd9: {  	v11 =	vld [tilespmem:s0+$0x0];
	[tilespmem:s30+$0x10090] =	vst v9;
	v7 =	vadd.f32 v7, v0  }
0xda: {  	v9 =	vld [tilespmem:s0+$0x10];
	[tilespmem:s30+$0x100A0] =	vst v8;
	v3 =	vadd.f32 v6, v3  }
0xdb: {  	v6 =	vld [tilespmem:s0+$0x20];
	[tilespmem:s30+$0x100B0] =	vst v7;
	v2 =	vadd.f32 v4, v2  }
0xdc: {  	v4 =	vld [tilespmem:s0+$0x30];
	[tilespmem:s30+$0x13280] =	vst v3;
	v1 =	vadd.f32 v5, v1  }
0xdd: {  	v5 =	vld [tilespmem:s0+$0x10080];
	[tilespmem:s30+$0x13290] =	vst v2;
	v0 =	vadd.f32 v10, v0  }
0xde: {  	v12 =	vld [tilespmem:s0+$0x10090];
	[tilespmem:s30+$0x132A0] =	vst v1;
	v3 =	vmov v11  }
.Ltmp4:
0xdf: {  	v8 =	vld [tilespmem:s0+$0x100A0];
	[tilespmem:s30+$0x132B0] =	vst v0;
	v2 =	vmov v9;
	s30 =	smov.u32 s0;
	(pc) =	sbr.rel @p2 .LBB2_7-.Ltmp4, $4  }
0xe0: {  	v7 =	vld [tilespmem:s30+$0x100B0];
	v1 =	vmov v6  }
0xe1: {  	v6 =	vld [tilespmem:s30+$0x13280];
	v0 =	vmov v4  }
0xe2: {  	v10 =	vadd.f32 v5, v3;
	v4 =	vld [tilespmem:s30+$0x13290]  }
0xe3: {  	s31 =	sadd.s32 $0x100, s31;
	v9 =	vadd.f32 v12, v2;
	v5 =	vld [tilespmem:s30+$0x132A0]  }
0xe4: {  	[tilespmem:s30+$0x10080] =	vst v10;
	v8 =	vadd.f32 v8, v1;
	v10 =	vld [tilespmem:s30+$0x132B0]  }
0xe5: {  	[tilespmem:s30+$0x10090] =	vst v9;
	v7 =	vadd.f32 v7, v0  }
0xe6: {  	[tilespmem:s30+$0x100A0] =	vst v8;
	v3 =	vadd.f32 v6, v3  }
0xe7: {  	[tilespmem:s30+$0x100B0] =	vst v7;
	v2 =	vadd.f32 v4, v2  }
0xe8: {  	s0 =	sadd.s32 s25, s17;
	[tilespmem:s30+$0x13280] =	vst v3;
	v1 =	vadd.f32 v5, v1  }
0xe9: {  	s0 =	sshll.u32 s0, $0x3;
	[tilespmem:s30+$0x13290] =	vst v2;
	v0 =	vadd.f32 v10, v0  }
0xea: {  	s0 =	sand.u32 $0x1FFFFF00, s0;
	[tilespmem:s30+$0x132A0] =	vst v1  }
0xeb: {  	s0 =	sadd.s32 s3, s0;
	[tilespmem:s30+$0x132B0] =	vst v0  }
0xec: {  	[hbm4b:s0+s4] =	stream.linear.scatter [tilespmem:s28], [sflag:$0x7], $0x6400, $0x38;
	[tilespmem:$0x1C880] =	vst v63  }
0xed: {  	s25 =	sadd.s32 @!p1 s29, s18;
	s0 =	simm.s32 @!p1 $0x6  }
0xee: {  	s25 =	smul.u32 @!p1 $0x34, s25;
	_ =	swait.ge @!p1 [sflag:s0], $0x6400  }
0xef: {  	s30 =	simm.s32 @!p1 $0x33A0;
	[sflag:s0] =	ssyncset.done @!p1 $0x0  }
0xf0: {  	[sflag:s0] =	ssyncadd.s32 @!p1 $0xFFFF9C00;
	s0 =	sadd.s32 @!p1 s5, s25;
	s25 =	simm.s32 @!p1 $0x0  }
0xf1: {  	[tilespmem:s30], [sflag:$0x9] =	stream.linear.gather @!p1 [hbm4b:s0+s25], $0x1A0, $0x38;
	[tilespmem:$0x1C880] =	vst v63  }
0xf2: {  	s0 =	simm.s32 @!p1 $0x9  }
0xf3: {  	_ =	swait.ge @!p1 [sflag:s0], $0x1A0  }
0xf4: {  	[sflag:s0] =	ssyncset.done @!p1 $0x0  }
0xf5: {  	s25 =	simm.s32 @!p1 $0x9C80;
	[sflag:s0] =	ssyncadd.s32 @!p1 $0xFFFFFE60;
	s0 =	simm.s32 @!p1 $0x64  }
0xf6: {  	[tilespmem:s25], [sflag:$0x2] =	stream.indirect.gather @!p1 [hbm4b:s6+s0], $0x40, s30, s0, $0xb8;
	[tilespmem:$0x1C880] =	vst v63  }
0xf7: {  	s25 =	simm.s32 @!p1 $0x3408;
	s30 =	simm.s32 @!p1 $0xB580  }
0xf8: {  	[tilespmem:s30], [sflag:$0x2] =	stream.indirect.gather @!p1 [hbm4b:s6+s0], $0x40, s25, s0, $0xb8;
	[tilespmem:$0x1C880] =	vst v63  }
0xf9: {  	s25 =	simm.s32 @!p1 $0x3470;
	s30 =	simm.s32 @!p1 $0xCE80  }
0xfa: {  	[tilespmem:s30], [sflag:$0x2] =	stream.indirect.gather @!p1 [hbm4b:s6+s0], $0x40, s25, s0, $0xb8;
	[tilespmem:$0x1C880] =	vst v63  }
0xfb: {  	s25 =	simm.s32 @!p1 $0x34D8;
	s30 =	simm.s32 @!p1 $0xE780  }
0xfc: {  	[tilespmem:s30], [sflag:$0x2] =	stream.indirect.gather @!p1 [hbm4b:s6+s0], $0x40, s25, s0, $0xb8;
	[tilespmem:$0x1C880] =	vst v63  }
0xfd: {  	_ =	swait.ge [sflag:s21], $0x6400  }
0xfe: {  	[sflag:s21] =	ssyncset.done $0x0  }
0xff: {  	s25 =	simm.s32 $0x0;
	[sflag:s21] =	ssyncadd.s32 $0xFFFF9C00  }
0x100: {  	v3 =	vld [tilespmem:s25+$0x0]  }
0x101: {  	v2 =	vld [tilespmem:s25+$0x10]  }
0x102: {  	v1 =	vld [tilespmem:s25+$0x20]  }
0x103: {  	v0 =	vld [tilespmem:s25+$0x30]  }
0x104: {  	v5 =	vld [tilespmem:s25+$0x16480]  }
0x105: {  	v9 =	vld [tilespmem:s25+$0x16490]  }
0x106: {  	v8 =	vld [tilespmem:s25+$0x164A0]  }
0x107: {  	v7 =	vld [tilespmem:s25+$0x164B0]  }
0x108: {  	v6 =	vld [tilespmem:s25+$0x19680]  }
0x109: {  	v4 =	vld [tilespmem:s25+$0x19690];
	v10 =	vadd.f32 v5, v3  }
0x10a: {  	s30 =	simm.s32 $0x100;
	v9 =	vadd.f32 v9, v2;
	v5 =	vld [tilespmem:s25+$0x196A0]  }
.LBB2_9:
0x10b: {  	s0 =	sshra.s32 s30, $0x2;
	p2 =	sne.s32 s30, $0xC700;
	[tilespmem:s25+$0x16480] =	vst v10;
	v8 =	vadd.f32 v8, v1;
	v10 =	vld [tilespmem:s25+$0x196B0]  }
0x10c: {  	v11 =	vld [tilespmem:s0+$0x0];
	[tilespmem:s25+$0x16490] =	vst v9;
	v7 =	vadd.f32 v7, v0  }
0x10d: {  	v9 =	vld [tilespmem:s0+$0x10];
	[tilespmem:s25+$0x164A0] =	vst v8;
	v3 =	vadd.f32 v6, v3  }
0x10e: {  	v6 =	vld [tilespmem:s0+$0x20];
	[tilespmem:s25+$0x164B0] =	vst v7;
	v2 =	vadd.f32 v4, v2  }
0x10f: {  	v4 =	vld [tilespmem:s0+$0x30];
	[tilespmem:s25+$0x19680] =	vst v3;
	v1 =	vadd.f32 v5, v1  }
0x110: {  	v5 =	vld [tilespmem:s0+$0x16480];
	[tilespmem:s25+$0x19690] =	vst v2;
	v0 =	vadd.f32 v10, v0  }
0x111: {  	v12 =	vld [tilespmem:s0+$0x16490];
	[tilespmem:s25+$0x196A0] =	vst v1;
	v3 =	vmov v11  }
.Ltmp5:
0x112: {  	v8 =	vld [tilespmem:s0+$0x164A0];
	[tilespmem:s25+$0x196B0] =	vst v0;
	v2 =	vmov v9;
	s25 =	smov.u32 s0;
	(pc) =	sbr.rel @p2 .LBB2_9-.Ltmp5, $4  }
0x113: {  	v7 =	vld [tilespmem:s25+$0x164B0];
	v1 =	vmov v6  }
0x114: {  	v6 =	vld [tilespmem:s25+$0x19680];
	v0 =	vmov v4  }
0x115: {  	v10 =	vadd.f32 v5, v3;
	v4 =	vld [tilespmem:s25+$0x19690]  }
0x116: {  	s30 =	sadd.s32 $0x100, s30;
	v9 =	vadd.f32 v12, v2;
	v5 =	vld [tilespmem:s25+$0x196A0]  }
0x117: {  	[tilespmem:s25+$0x16480] =	vst v10;
	v8 =	vadd.f32 v8, v1;
	v61 =	vld [tilespmem:s25+$0x196B0]  }
0x118: {  	[tilespmem:s25+$0x16490] =	vst v9;
	v7 =	vadd.f32 v7, v0  }
0x119: {  	s0 =	smul.u32 $0x190, s12;
	[tilespmem:s25+$0x164A0] =	vst v8;
	v3 =	vadd.f32 v6, v3  }
0x11a: {  	[tilespmem:s25+$0x164B0] =	vst v7;
	v2 =	vadd.f32 v4, v2  }
.Ltmp6:
0x11b: {  	s0 =	sadd.s32 s9, s0;
	[tilespmem:s25+$0x19680] =	vst v3;
	v62 =	vadd.f32 v5, v1;
	(pc) =	sbr.rel @p1 .LBB2_12-.Ltmp6, $4  }
0x11c: {  	s0 =	sshll.u32 s0, $0x3;
	[tilespmem:s25+$0x19690] =	vst v2;
	v63 =	vadd.f32 v61, v0  }
0x11d: {  	s0 =	sand.u32 $0x1FFFFF80, s0;
	[tilespmem:s25+$0x196A0] =	vst v62  }
0x11e: {  	s0 =	sadd.s32 s3, s0;
	[tilespmem:s25+$0x196B0] =	vst v63  }
0x11f: {  	[hbm4b:s0+s4] =	stream.linear.scatter [tilespmem:s13], [sflag:$0x8], $0x6400, $0x38;
	[tilespmem:$0x1C880] =	vst v63  }
0x120: {  	s0 =	sadd.s32 s29, s19  }
0x121: {  	_ =	swait.ge [sflag:s10], $0x6400;
	s0 =	smul.u32 $0x34, s0  }
0x122: {  	[sflag:s10] =	ssyncset.done $0x0  }
0x123: {  	[sflag:s10] =	ssyncadd.s32 $0xFFFF9C00;
	s0 =	sadd.s32 s5, s0  }
0x124: {  	[tilespmem:s26], [sflag:$0x9] =	stream.linear.gather [hbm4b:s0+s4], $0x1A0, $0x38;
	[tilespmem:$0x1C880] =	vst v63  }
0x125: {  	_ =	swait.ge [sflag:s22], $0x1A0  }
0x126: {  	[sflag:s22] =	ssyncset.done $0x0  }
0x127: {  	[sflag:s22] =	ssyncadd.s32 $0xFFFFFE60  }
0x128: {  	[tilespmem:s28], [sflag:$0x3] =	stream.indirect.gather [hbm4b:s6+s24], $0x40, s26, s24, $0xb8;
	[tilespmem:$0x1C880] =	vst v63  }
0x129: {  	s29 =	simm.s32 $0x35A8;
	s12 =	simm.s32 $0x11980  }
0x12a: {  	[tilespmem:s12], [sflag:$0x3] =	stream.indirect.gather [hbm4b:s6+s24], $0x40, s29, s24, $0xb8;
	[tilespmem:$0x1C880] =	vst v63  }
.Ltmp7:
0x12b: {  	_ = 	snop;
	(pc) =	sbr.rel .LBB2_2-.Ltmp7, $4  }
0x12c: {  	s30 =	simm.s32 $0x3610;
	s31 =	simm.s32 $0x13280  }
0x12d: {  	[tilespmem:s31], [sflag:$0x3] =	stream.indirect.gather [hbm4b:s6+s24], $0x40, s30, s24, $0xb8;
	[tilespmem:$0x1C880] =	vst v63  }
0x12e: {  	s2 =	sadd.s32 $0x1, s2  }
0x12f: {  	[tilespmem:s8], [sflag:$0x3] =	stream.indirect.gather [hbm4b:s6+s24], $0x40, s7, s24, $0xb8;
	[tilespmem:$0x1C880] =	vst v63  }
.LBB2_13:
0x130: {  	_ =	sfence.sel $0x180000  }
0x131: {  	[bflag:$0x0] =	sbarrier.arrive $0xFFFF  }
0x132: {  	_ =	strace $0x90000047  }
0x133: {  	s0 =	stileid.u32;
	[bflag:$0x2] =	sbarrier.arrive $0xFFFF  }
0x134: {  	p0 =	sne.s32 s0, $0x0;
	s0 =	rddreg [dreg:$0x3]  }
0x135: {  	s0 =	sadd.s32 @!p0 $0x100000, s0  }
0x136: {  	[sflag:s0] =	ssyncadd.tile.s32 @!p0 $0x1;
	_ =	shalt  }
.Lfunc_end2:
_tile_overlayer_lowered:
.L_overlay_start_2:
0x137: {  	(tag) =	ssettag $0x2  }
0x138: {  	s0 =	rddreg [dreg:$0x0];
	s2 =	stileid.u32  }
0x139: {  	s1 =	rddreg [dreg:$0x1];
	p0 =	sne.s32 s2, $0x0  }
0x13a: {  	s3 =	rddreg [dreg:$0x2];
	[bflag:$0x3] =	sbarrier.arrive $0xFFFF;
	s2 =	simm.s32 @!p0 $0x1C09  }
0x13b: {  	[timem:s3], [sflag:s2] =	dma.local @!p0 [hbm:s0], s1  }
0x13c: {  	s0 =	simm.s32 @!p0 $0x9  }
0x13d: {  	_ =	swait.ge @!p0 [sflag:s0], s1  }
0x13e: {  	s1 =	ssub.s32 @!p0 $0x0, s1;
	[sflag:s0] =	ssyncset.done @!p0 $0x0  }
0x13f: {  	[sflag:s0] =	ssyncadd.s32 @!p0 s1  }
0x140: {  	[bflag:$0x3] =	sbarrier.arrive $0xFFFF  }
0x141: {  	_ =	shalt  }

// kernel: sparse-core-data-format-call.cloned.1.call-start
scs
called_computation_lowered:
.L_overlay_start_0:
0x0: {  	s2 =	sld [smem:$0x3FD9]  }
0x1: {  	s3 =	sld [smem:$0x3FFE];
	_ =	sdelay $0x1  }
0x2: {  	s1 =	srdreg.scid  }
0x3: {  	s0 =	sand.u32 $0x1, s1  }
0x4: {  	s15 =	sshll.u32 s0, $0xA;
	s2 =	sadd.s32 s3, s2  }
0x5: {  	s2 =	sadd.s32 s2, s15  }
0x6: {  	[smem:$0x3FC4] =	sst s2  }
0x7: {  	_ = 	snop  }
0x8: {  	s2 =	sld [smem:$0x3FD0];
	_ =	sdelay $0x2  }
0x9: {  	s16 =	simm.s32 $0xA;
	s4 =	simm.s32 $0x10  }
0xa: {  	[smem:s4], [sflag:s16] =	dma.local [hbm:s2], $0x1  }
0xb: {  	_ =	swait.eq [sflag:s16], $0x1  }
0xc: {  	[sflag:s16] =	ssyncset.done $0x0  }
0xd: {  	[sflag:s16] =	ssyncadd.s32 $0xFFFFFFFF  }
0xe: {  	s17 =	sld [smem:$0x10];
	(tm) =	ssettm $0x1  }
0xf: {  	s18 =	sld [smem:$0x3FFB];
	_ =	sdelay $0x3  }
0x10: {  	_ =	strace s18  }
0x11: {  	s3 =	sld [smem:$0x3FFC];
	_ =	sdelay $0x3  }
0x12: {  	_ =	strace s3  }
0x13: {  	s3 =	sld [smem:$0x3FFD];
	_ =	sdelay $0x3  }
0x14: {  	_ =	strace s3  }
0x15: {  	_ =	strace $0x8FFFFFFF  }
0x16: {  	s19 =	sld [smem:$0x3FDB];
	_ =	sdelay $0x1  }
0x17: {  	s20 =	simm.s32 $_scs_section_size  }
0x18: {  	s5 =	simm.s32 $_size__tile_overlayer_lowered;
	s6 =	simm.s32 $_tile_overlayer_lowered  }
0x19: {  	s23 =	simm.s32 $0x1BFF;
	s22 =	sshll.u32 s6, $0x1;
	s3 =	sadd.s32 s20, s19  }
0x1a: {  	s7 =	simm.s32 $0x0;
	s21 =	sshll.u32 s5, $0x1;
	s5 =	sadd.s32 s22, s3  }
0x1b: {  	[timem:s7], [sflag:s23] =	dma.local [hbm:s5], s21  }
0x1c: {  	_ =	swait.ge [sflag:s23], s21  }
0x1d: {  	s4 =	ssub.s32 $0x0, s21;
	[sflag:s23] =	ssyncset.done $0x0  }
0x1e: {  	[sflag:s23] =	ssyncadd.s32 s4;
	_ =	sdelay $0x1  }
0x1f: {  	s24 =	simm.s32 $0x1B8B  }
0x20: {  	_ =	swait.ge [sflag:s24], $0x1  }
0x21: {  	[sflag:s24] =	ssyncset.done $0x0  }
0x22: {  	s26 =	simm.s32 $0x1B8E;
	s25 =	sld [smem:$0x3FFE];
	[sflag:s24] =	ssyncadd.s32 $0xFFFFFFFF  }
0x23: {  	s27 =	simm.s32 $execute0_lowered;
	[smem:$0x3FD2] =	sst s26  }
0x24: {  	s5 =	sshll.u32 s27, $0x1;
	_ =	strace $0x80000049;
	[dreg:$0x1] =	wrdreg $0xFFFFFFFF  }
0x25: {  	s28 =	simm.s32 $_size_execute0_lowered;
	s3 =	sadd.s32 s3, s5;
	[dreg:$0x0] =	wrdreg $0x0  }
0x26: {  	s5 =	sshll.u32 s28, $0x1;
	[dreg:$0x2] =	wrdreg s3  }
0x27: {  	[dreg:$0x3] =	wrdreg s5  }
0x28: {  	[dreg:$0x4] =	wrdreg $0xC0  }
0x29: {  	_ =	task [dreg:s7], $0x5FFFF  }
0x2a: {  	[dreg:$0x1] =	wrdreg $0xFFFFFFFF  }
0x2b: {  	[dreg:$0x0] =	wrdreg $0x60  }
0x2c: {  	[dreg:$0x2] =	wrdreg s25  }
0x2d: {  	[dreg:$0x3] =	wrdreg s17  }
0x2e: {  	[dreg:$0x4] =	wrdreg $0x9  }
0x2f: {  	_ =	task.clear_ibuf [dreg:s7], $0x5FFFF;
	_ =	strace $0x90000049  }
0x30: {  	s29 =	simm.s32 $0x9;
	_ =	strace $0x8000004B  }
0x31: {  	_ =	swait.ge [sflag:s29], $0x1  }
0x32: {  	[sflag:s29] =	ssyncadd.s32 $0xFFFFFFFF  }
0x33: {  	_ =	strace $0x9000004B  }
0x34: {  	_ =	sfence  }
0x35: {  	s30 =	sld [smem:$0x0];
	_ =	sdelay $0x2  }
0x36: {  	s31 =	sshll.u32 s1, $0xD;
	s1 =	sshrl.u32 s1, $0x2  }
0x37: {  	s3 =	sand.u32 $0x4000, s31;
	s1 =	sadd.s32 s1, s30  }
0x38: {  	s0 =	sor.u32 s3, s0;
	s1 =	sshll.u32 s1, $0x11  }
0x39: {  	s0 =	sor.u32 s1, s0  }
0x3a: {  	s0 =	sadd.s32 $0x8F2B, s0  }
0x3b: {  	[sflag:s0] =	ssyncadd.remote.s32 $0x1  }
0x3c: {  	_ =	sfence.sel $0xFFFF  }
0x3d: {  	[dreg:$0x0] =	wrdreg $0xFFFFFFFF;
	(pc) =	sbr.abs _section_cstart, $3  }
0x3e: {  	[dreg:$0x1] =	wrdreg $0xFFFFFFFF  }
0x3f: {  	_ =	task.clear_ibuf [dreg:s7], $0x2FFFF;
	_ =	strace $0x9FFFFFFF  }
0x40: {  	(tm) =	ssettm $0x7FFFFFFF  }
0x41: {  	_ =	shalt  }
tec
execute0_lowered:
.L_overlay_start_1:
0x0: {  	(tag) =	ssettag $0x1  }
0x1: {  	s0 =	srdreg.scid  }
0x2: {  	s1 =	sshll.u32 s0, $0x4  }
0x3: {  	s4 =	rddreg [dreg:$0x0];
	s0 =	stileid.u32;
	s1 =	sand.u32 $0x10, s1  }
0x4: {  	s2 =	rddreg [dreg:$0x1];
	s7 =	simm.s32 $0x1;
	s1 =	sor.u32 s0, s1  }
0x5: {  	s8 =	simm.s32 $0x2;
	s11 =	simm.s32 $0x0;
	s3 =	sshll.u32 s1, $0x7  }
0x6: {  	s10 =	simm.s32 $0x0;
	s4 =	sadd.s32 $0x1C600, s4;
	s6 =	ssub.s32 $0xC8000, s3  }
.Ltmp0:
0x7: {  	s1 =	rddreg [dreg:$0x2];
	s5 =	sand.u32 $0xF80, s6;
	(pc) =	sbr.rel .LBB1_1-.Ltmp0, $4  }
0x8: {  	_ =	strace $0x8000004A;
	s9 =	smov.u32 s3;
	p0 =	sne.s32 s5, $0x0  }
0x9: {  	s6 =	sshrl.u32 s6, $0xC;
	s5 =	simm.s32 $0x1;
	s7 =	simm.s32 @!p0 $0x0  }
0xa: {  	[sflag:s5] =	ssyncpa.u1 $0x0;
	p0 =	por $0x0, $0x0;
	s6 =	sadd.s32 s7, s6  }
0xb: {  	[sflag:s8] =	ssyncpa.u1 $0x0;
	s8 =	simm.s32 $0x640000;
	s7 =	sadd.s32 $0x1, s6  }
.LBB1_4:
0xc: {  	s14 =	sshll.u32 s11, $0x3  }
0xd: {  	s30 =	sand.u32 $0x7F, s11;
	s15 =	sand.u32 $0xFFFFFC00, s14  }
0xe: {  	s11 =	sor.u32 s30, s15  }
0xf: {  	s15 =	smulhi.u32 $0x51EB851F, s11  }
0x10: {  	s14 =	smulhi.u32 $0x51EB851F, s14  }
0x11: {  	s15 =	sshrl.u32 s15, $0x12  }
0x12: {  	s14 =	sshrl.u32 s14, $0x12;
	s15 =	smul.u32 $0xC8000, s15  }
0x13: {  	s14 =	sand.u32 $0x3F, s14  }
0x14: {  	s14 =	smul.u32 $0x19000, s14;
	s11 =	ssub.s32 s11, s15  }
0x15: {  	[tilespmem:s13+$0x810 ss:$0x81] =	vst.msk $0xffff, v2;
	s15 =	sand.u32 $0x7, s11  }
0x16: {  	[tilespmem:s13+$0x1020 ss:$0x81] =	vst.msk $0xffff, v0;
	s14 =	sadd.s32 s2, s14;
	s11 =	sshrl.u32 s11, $0x3;
	s15 =	sshll.u32 s15, $0x12  }
0x17: {  	[tilespmem:s13+$0x0 ss:$0x81] =	vst.msk $0xffff, v1;
	s11 =	sadd.s32 s11, s14;
	s31 =	sor.u32 $0x400, s15  }
0x18: {  	[hbm4b:s11+s31] =	stream.strided.scatter [tilespmem:s12], [sflag:$0x2], $0x2000, s8, s31, $0x20;
	[tilespmem:$0x8080] =	vst v63  }
.LBB1_5:
0x19: {  	s13 =	sadd.s32 $0x1000, s9  }
0x1a: {  	p2 =	sgt.s32 s13, $0xC7FFF  }
0x1b: {  	s13 =	smov.u32 @p2 s3;
	p2 =	sne.s32 s10, s7  }
.Ltmp1:
0x1c: {  	p1 =	slt.u32 s10, $0x2;
	(pc) =	sbr.rel @!p2 .LBB1_6-.Ltmp1, $4  }
0x1d: {  	s12 =	simm.s32 @!p1 $0x2  }
0x1e: {  	s14 =	sadd.s32 $0x1, s10;
	_ =	swait.ge @!p1 [sflag:s12], $0x2000  }
0x1f: {  	s11 =	smov.u32 s9;
	p0 =	por !p0, !p0;
	[sflag:s12] =	ssyncset.done @!p1 $0x0  }
0x20: {  	s10 =	smov.u32 s14;
	s9 =	smov.u32 s13;
	[sflag:s12] =	ssyncadd.s32 @!p1 $0xFFFFE000  }
.LBB1_1:
0x21: {  	p1 =	sge.u32 s10, s6  }
0x22: {  	s12 =	sand.u32 @!p1 $0x1FFFFFF, s9  }
0x23: {  	s13 =	smulhi.u32 @!p1 $0x147AE15, s12;
	_ =	sdelay $0x1  }
0x24: {  	s13 =	sshrl.u32 @!p1 s13, $0xC  }
0x25: {  	s13 =	smul.u32 @!p1 $0xC8000, s13;
	_ =	sdelay $0x1  }
0x26: {  	s31 =	sadd.s32 $0xFFFFFFFF, s10;
	s14 =	sxor.u32 @!p1 $0xFFFFFFFF, s10;
	s12 =	ssub.s32 @!p1 s12, s13  }
0x27: {  	s15 =	simm.s32 @!p1 $0x80;
	s14 =	sshll.u32 @!p1 s14, $0xD;
	s12 =	sshll.u32 @!p1 s12, $0x4  }
0x28: {  	s13 =	sand.u32 @!p1 $0x2000, s14;
	s14 =	simm.s32 @!p1 $0x40;
	s12 =	sadd.s32 @!p1 s4, s12  }
0x29: {  	[tilespmem:s13], [sflag:$0x1] =	stream.strided.gather @!p1 [hbm4b:s12+s14], $0x2000, s15, s14, $0x38;
	[tilespmem:$0x8080] =	vst v63  }
0x2a: {  	p1 =	sge.u32 s31, s6  }
.Ltmp2:
0x2b: {  	_ = 	snop;
	(pc) =	sbr.rel @p1 .LBB1_5-.Ltmp2, $1  }
0x2c: {  	_ =	sdelay $0x3  }
0x2d: {  	s12 =	simm.s32 $0x1  }
0x2e: {  	_ =	swait.ge [sflag:s5], $0x2000;
	s12 =	simm.s32 @!p0 $0x0  }
0x2f: {  	[sflag:s5] =	ssyncset.done $0x0;
	s13 =	sshll.u32 s12, $0xD  }
0x30: {  	[sflag:s5] =	ssyncadd.s32 $0xFFFFE000;
	s16 =	sor.u32 $0x20, s13  }
0x31: {  	s12 =	smul.u32 $0x8100, s12;
	v3 =	vld [tilespmem:s16+$0x10]  }
0x32: {  	s30 =	sand.u32 $0x1, s10;
	v2 =	vld [tilespmem:s16+$0xFFFFFFF0]  }
0x33: {  	s13 =	smul.u32 $0x8100, s30;
	s12 =	sshrl.u32 s12, $0x2;
	v0 =	vld [tilespmem:s16+$0x0]  }
0x34: {  	v1 =	vld [tilespmem:s16+$0xFFFFFFE0];
	s14 =	sor.u32 $0x4000, s12  }
0x35: {  	s31 =	sshrl.u32 s13, $0x2;
	s13 =	sadd.s32 $0x0, s14  }
0x36: {  	s15 =	simm.s32 $0x4;
	s16 =	sadd.s32 $0x40, s16;
	s12 =	sor.u32 $0x4000, s31;
	[tilespmem:s13+$0x1830 ss:$0x81] =	vst.msk $0xffff, v3  }
.LBB1_3:
0x37: {  	v3 =	vld [tilespmem:s16+$0x10];
	p1 =	sne.s32 s15, $0x1FC;
	[tilespmem:s13+$0x810 ss:$0x81] =	vst.msk $0xffff, v2;
	s17 =	smov.u32 s15;
	s15 =	sadd.s32 $0x4, s15  }
.Ltmp3:
0x38: {  	v2 =	vld [tilespmem:s16+$0xFFFFFFF0];
	[tilespmem:s13+$0x1020 ss:$0x81] =	vst.msk $0xffff, v0;
	(pc) =	sbr.rel @p1 .LBB1_3-.Ltmp3, $4  }
0x39: {  	v0 =	vld [tilespmem:s16+$0x0];
	[tilespmem:s13+$0x0 ss:$0x81] =	vst.msk $0xffff, v1  }
0x3a: {  	s13 =	sshra.s32 s17, $0x2;
	v1 =	vld [tilespmem:s16+$0xFFFFFFE0]  }
0x3b: {  	s13 =	sadd.s32 s13, s14  }
0x3c: {  	s16 =	sadd.s32 $0x40, s16;
	[tilespmem:s13+$0x1830 ss:$0x81] =	vst.msk $0xffff, v3  }
.Ltmp4:
0x3d: {  	_ = 	snop;
	(pc) =	sbr.rel .LBB1_4-.Ltmp4, $1  }
0x3e: {  	_ =	sdelay $0x3  }
.LBB1_6:
0x3f: {  	_ =	sfence.sel $0x180000  }
0x40: {  	s2 =	simm.s32 $0x1;
	[bflag:$0x0] =	sbarrier.arrive $0xFFFF  }
0x41: {  	s31 =	simm.s32 $0x2;
	[sflag:s2] =	ssyncpa.u1 $0x1  }
0x42: {  	[sflag:s31] =	ssyncpa.u1 $0x1  }
0x43: {  	p0 =	sne.s32 s0, $0x0;
	_ =	strace $0x9000004A  }
0x44: {  	s0 =	sadd.s32 @!p0 $0x100000, s1;
	[bflag:$0x2] =	sbarrier.arrive $0xFFFF  }
0x45: {  	[sflag:s0] =	ssyncadd.tile.s32 @!p0 $0x1;
	_ =	shalt  }
.Lfunc_end1:
_tile_overlayer_lowered:
.L_overlay_start_2:
0x46: {  	(tag) =	ssettag $0x2  }
0x47: {  	s0 =	rddreg [dreg:$0x0];
	s2 =	stileid.u32  }
0x48: {  	s1 =	rddreg [dreg:$0x1];
	p0 =	sne.s32 s2, $0x0  }
0x49: {  	s3 =	rddreg [dreg:$0x2];
	[bflag:$0x3] =	sbarrier.arrive $0xFFFF;
	s2 =	simm.s32 @!p0 $0x1C01  }
0x4a: {  	[timem:s3], [sflag:s2] =	dma.local @!p0 [hbm:s0], s1  }
0x4b: {  	s0 =	simm.s32 @!p0 $0x1  }
0x4c: {  	_ =	swait.ge @!p0 [sflag:s0], s1  }
0x4d: {  	s1 =	ssub.s32 @!p0 $0x0, s1;
	[sflag:s0] =	ssyncset.done @!p0 $0x0  }
0x4e: {  	[sflag:s0] =	ssyncadd.s32 @!p0 s1  }
0x4f: {  	[bflag:$0x3] =	sbarrier.arrive $0xFFFF  }
0x50: {  	_ =	shalt  }

</sc_bundles>
